<compile_context>
chip_gen: v7x
topology: tpu7x:2x2x1
jax: 0.10.2.dev20260603
libtpu: 0.0.44.dev20260713+nightly
codegen_flags: <defaults>
</compile_context>

<pallas_src>
import functools

import jax
import jax.numpy as jnp
from jax.experimental import pallas as pl
from jax.experimental.pallas import tpu as pltpu
from jax.experimental.pallas import tpu_sc as plsc

N = 16384
DIM = 128
NUM_CLASSES = 100
CP = 104
K = 64
ALPHA = 1.0
EPS = 1e-6
NITER = 32
BIG = 1e30

_HI = jax.lax.Precision.HIGHEST
_DN = (((1,), (1,)), ((), ()))


@functools.lru_cache(maxsize=1)
def _sc_center_sums_fn():
    mesh = plsc.VectorSubcoreMesh(core_axis_name="c", subcore_axis_name="s")

    @functools.partial(
        pl.kernel,
        mesh=mesh,
        out_type=jax.ShapeDtypeStruct((2, CP, DIM), jnp.float32),
        scratch_types=[
            pltpu.VMEM((128, DIM), jnp.float32),
            pltpu.VMEM((4, 128), jnp.int32),
            pltpu.VMEM_SHARED((CP, DIM), jnp.float32),
        ],
    )
    def _sc_center_sums(x_hbm, y_hbm, z_hbm, out_hbm, xbuf, ybuf, acc):
        cid = jax.lax.axis_index("c")
        sid = jax.lax.axis_index("s")

        @pl.when(sid == 0)
        def _():
            pltpu.sync_copy(z_hbm, acc)
        plsc.subcore_barrier()

        base = cid * 64 + sid * 4
        pltpu.sync_copy(y_hbm.at[pl.ds(base, 4)], ybuf)
        for g in range(4):
            pltpu.sync_copy(x_hbm.at[pl.ds((base + g) * 128, 128)], xbuf)
            pltpu.sync_copy(xbuf, acc.at[ybuf.at[g]], add=True)
        plsc.subcore_barrier()

        @pl.when(sid == 0)
        def _():
            pltpu.sync_copy(acc, out_hbm.at[cid])

    return _sc_center_sums


def _loss_body(xt_ref, yrow_ref, part_ref, out_ref):
    xt = xt_ref[...]
    yrow = yrow_ref[...]

    member = (jax.lax.broadcasted_iota(jnp.int32, (CP, N), 0) == yrow)
    onehot = member.astype(jnp.float32)
    onehot_b = member.astype(jnp.bfloat16)

    counts = jnp.sum(onehot, axis=1, keepdims=True)
    ones_row = jnp.ones((1, N), dtype=jnp.bfloat16)
    counts_row = jax.lax.dot_general(
        ones_row, onehot_b, _DN,
        preferred_element_type=jnp.float32)

    part = part_ref[...]
    sums = part[0:CP, :] + part[CP:2 * CP, :]
    cpm = sums / jnp.maximum(counts, 1.0) + EPS

    g = jax.lax.dot(cpm, xt)
    cpsq = jnp.sum(cpm * cpm, axis=1, keepdims=True)
    xsq = jnp.sum(xt * xt, axis=0, keepdims=True)
    dist = jnp.sqrt(jnp.maximum(cpsq - 2.0 * g + xsq, 0.0))

    dmax = jnp.max(dist)
    kf = jnp.float32(K)

    diag = (jax.lax.broadcasted_iota(jnp.int32, (CP, CP), 0)
            == jax.lax.broadcasted_iota(jnp.int32, (CP, CP), 1))

    kmat = jnp.where(diag, counts - (kf - 1.0), kf)

    def neg_step(_, carry):
        lo, hi = carry
        mid = 0.5 * (lo + hi)
        cmp = (dist <= mid).astype(jnp.bfloat16)
        cnt = jax.lax.dot_general(
            cmp, onehot_b, _DN,
            preferred_element_type=jnp.float32)
        dec = (cnt >= kmat).astype(jnp.bfloat16)
        dec_s = jax.lax.dot(dec, onehot_b,
                            preferred_element_type=jnp.float32)
        pred = dec_s > 0.5
        return (jnp.where(pred, lo, mid), jnp.where(pred, mid, hi))

    lo0 = jnp.full((CP, N), -1.0, dtype=jnp.float32)
    hi0 = jnp.full((CP, N), 1.0, dtype=jnp.float32) * (dmax + 1.0)
    _, v_smp = jax.lax.fori_loop(0, NITER, neg_step, (lo0, hi0))

    less = dist < v_smp
    cnt_l = jax.lax.dot_general(
        less.astype(jnp.bfloat16), onehot_b, _DN,
        preferred_element_type=jnp.float32)

    def _split_sum(vals):
        v_hi = vals.astype(jnp.bfloat16)
        v_lo = (vals - v_hi.astype(jnp.float32)).astype(jnp.bfloat16)
        s_hi = jax.lax.dot_general(v_hi, onehot_b, _DN,
                                   preferred_element_type=jnp.float32)
        s_lo = jax.lax.dot_general(v_lo, onehot_b, _DN,
                                   preferred_element_type=jnp.float32)
        return s_hi + s_lo

    sum_l = _split_sum(jnp.where(less, dist, 0.0))
    v_pair = _split_sum(v_smp) / jnp.maximum(counts_row, 1.0)
    neg_mean = (sum_l + (kf - cnt_l) * v_pair) / kf
    neg_mean = jnp.where(counts_row < kf, BIG, neg_mean)

    s_total = jnp.sum(onehot * dist, axis=1, keepdims=True)
    v_d = jnp.sum(jnp.where(diag, v_pair, 0.0), axis=1, keepdims=True)
    cnt_d = jnp.sum(jnp.where(diag, cnt_l, 0.0), axis=1, keepdims=True)
    sum_d = jnp.sum(jnp.where(diag, sum_l, 0.0), axis=1, keepdims=True)
    pos_mean = (s_total - sum_d + (kf - counts + cnt_d) * v_d) / kf
    pos_mean = jnp.where(counts < kf, -BIG, pos_mean)

    terms = jnp.maximum(ALPHA + pos_mean - neg_mean, 0.0)
    present = counts > 0.0
    present_row = counts_row > 0.0
    mask = present & present_row & (~diag)
    loss = jnp.sum(jnp.where(mask, terms, 0.0))
    c_n = jnp.sum(present.astype(jnp.float32))
    loss = loss / ((c_n + 1.0) * (c_n * 0.5))
    out_ref[...] = jnp.broadcast_to(loss, (1, 1))


def kernel(x, y):
    xt = x.T
    y32 = y.astype(jnp.int32)
    yrow = y32.reshape(1, N)
    y2d = y32.reshape(N // 128, 128)
    zeros = jnp.zeros((CP, DIM), dtype=jnp.float32)
    part = _sc_center_sums_fn()(x, y2d, zeros)
    out = pl.pallas_call(
        _loss_body,
        out_shape=jax.ShapeDtypeStruct((1, 1), jnp.float32),
        compiler_params=pltpu.CompilerParams(
            vmem_limit_bytes=64 * 1024 * 1024),
    )(xt, yrow, part.reshape(2 * CP, DIM))
    return out.reshape(1)

# --- scband reference (transcript-rebuilt; emitter-appended) ---
"""Pipeline reference for scband-overlap-triplet-loss-11991548690925 (READ-ONLY COPY).

The authoritative reference and input builder live on the scoring server;
editing this copy changes nothing except your own understanding.
"""

import jax, jax.numpy as jnp
import numpy as np

N = 16384
DIM = 128
NUM_CLASSES = 100
ALPHA = 1.0
NUM_OVERLAP = int(128 * 0.5)  # int(args.d * args.overlap_ratio)
EPS = 1e-6  # torch nn.PairwiseDistance default eps (added to the difference)


def setup_inputs(seed: int = 0):
    key = jax.random.key(seed)
    k1, k2 = jax.random.split(key)
    x = jax.random.normal(k1, (N, DIM), dtype=jnp.float32)
    y = jax.random.randint(k2, (N,), 0, NUM_CLASSES)
    return {"x": x, "y": y}


def reference(x, y):
    # torch.unique(y) -> sorted present classes; fixed-shape masked equivalent:
    # enumerate all possible labels statically and mask out absent ones.
    class_types = jnp.arange(NUM_CLASSES)
    Cmax = NUM_CLASSES
    onehot = (y[None, :] == class_types[:, None])  # [Cmax, N] bool
    counts = onehot.sum(axis=1).astype(x.dtype)
    present = counts > 0  # [Cmax] bool
    safe_counts = jnp.where(present, counts, jnp.ones_like(counts))
    # get_centers: per-class mean of x
    centers = (onehot.astype(x.dtype) @ x) / safe_counts[:, None]
    # PairwiseDistance(p=2): ||center - x + eps||_2, rows per class -> D[Cmax, N]
    D = jnp.stack([jnp.linalg.norm(centers[i][None, :] - x + EPS, axis=1) for i in range(Cmax)])
    # pos: for class c, the NUM_OVERLAP largest distances among its own members
    masked_pos = jnp.where(onehot, D, -jnp.inf)
    pos_top = jax.lax.top_k(masked_pos, NUM_OVERLAP)[0]  # [Cmax, k]
    pos_mean = pos_top.mean(axis=1)  # [Cmax]
    pos_std = jnp.std(pos_top, axis=1, ddof=1)  # computed in torch code but unused in loss
    # neg: for (c1, c2), the NUM_OVERLAP smallest distances of class-c2 members to center c1
    neg_cols = []
    for c2 in range(Cmax):
        masked = jnp.where(onehot[c2][None, :], D, jnp.inf)  # [Cmax, N]
        small = -jax.lax.top_k(-masked, NUM_OVERLAP)[0]  # [Cmax, k] smallest k
        neg_cols.append(small.mean(axis=1))
    neg_mean = jnp.stack(neg_cols, axis=1)  # [Cmax, Cmax]; column c2 = neg means vs class c2
    terms = jnp.maximum(ALPHA + pos_mean[:, None] - neg_mean, 0.0)
    off_diag_mask = (present[:, None] & present[None, :]) & (~jnp.eye(Cmax, dtype=bool))
    loss = jnp.where(off_diag_mask, terms, jnp.zeros_like(terms)).sum()
    C = present.sum().astype(x.dtype)
    loss = loss / ((C + 1) * (C / 2.0))
    return loss.reshape(1)

if __name__ == "__main__":
    import jax
    _d = setup_inputs()
    print(jax.jit(kernel)(*tuple(_d.values())))

</pallas_src>

<mosaic_0001>
#map = affine_map<(d0, d1) -> (0, 0)>
#map1 = affine_map<(d0, d1) -> (0, 0, 0)>
module attributes {stable_mosaic.version = 14 : i64} {
  func.func @_sc_center_sums(%arg0: i32, %arg1: i32, %arg2: memref<16384x128xf32, #tpu.memory_space<hbm>>, %arg3: memref<128x128xi32, #tpu.memory_space<hbm>>, %arg4: memref<104x128xf32, #tpu.memory_space<hbm>>, %arg5: memref<2x104x128xf32, #tpu.memory_space<hbm>>, %arg6: memref<128x128xf32, #tpu.memory_space<vmem>>, %arg7: memref<4x128xi32, #tpu.memory_space<vmem>>, %arg8: memref<104x128xf32, #tpu.memory_space<vmem_shared>>) attributes {dimension_semantics = [#tpu.dimension_semantics<core_parallel>, #tpu.dimension_semantics<subcore_parallel>], iteration_bounds = array<i64: 2, 16>, scalar_prefetch = 0 : i64, scratch_operands = 3 : i64, tpu.core_type = #tpu.core_type<sc_vector_subcore>, window_params = [{transform_indices = #map}, {transform_indices = #map}, {transform_indices = #map}, {transform_indices = #map1}]} {
    %eq3A = arith.constant 0 : i32
    %eq3A_0 = arith.cmpi eq, %arg1, %eq3A : i32
    %convert_element_type3A = arith.extui %eq3A_0 : i1 to i32
    %cond3A = arith.constant 0 : i32
    %cond3A_1 = arith.cmpi ne, %convert_element_type3A, %cond3A : i32
    scf.if %cond3A_1 {
      "tpu.region"() ({
        %run_scoped3A_30 = tpu.sem_alloc : memref<!tpu.dma_semaphore, #tpu.memory_space<semaphore_mem>>
        tpu.enqueue_dma source(%arg4 : memref<104x128xf32, #tpu.memory_space<hbm>>) target(%arg8 : memref<104x128xf32, #tpu.memory_space<vmem_shared>>) target_semaphore(%run_scoped3A_30 : memref<!tpu.dma_semaphore, #tpu.memory_space<semaphore_mem>>)
        tpu.wait_dma2 semaphore(%run_scoped3A_30 : memref<!tpu.dma_semaphore, #tpu.memory_space<semaphore_mem>>) src(%arg4 : memref<104x128xf32, #tpu.memory_space<hbm>>) dst(%arg8 : memref<104x128xf32, #tpu.memory_space<vmem_shared>>)
        tpu.yield
      }) : () -> ()
    } else {
    }
    %barrier3A = arith.constant 0 : index
    tpu.barrier barrier_id(%barrier3A)
    %mul3A = arith.constant 64 : i32
    %mul3A_2 = arith.muli %arg0, %mul3A : i32
    %mul3A_3 = arith.constant 4 : i32
    %mul3A_4 = arith.muli %arg1, %mul3A_3 : i32
    %add3A = arith.addi %mul3A_2, %mul3A_4 : i32
    "tpu.region"() ({
      %run_scoped3A_30 = tpu.sem_alloc : memref<!tpu.dma_semaphore, #tpu.memory_space<semaphore_mem>>
      %dma_start3A = arith.constant 0 : i32
      %dma_start3A_31 = tpu.memref_slice %arg3[%add3A, %dma_start3A] : memref<128x128xi32, #tpu.memory_space<hbm>> -> memref<4x128xi32, #tpu.memory_space<hbm>>
      %dma_start3A_32 = arith.constant 0 : i32
      %dma_start3A_33 = tpu.memref_slice %arg3[%add3A, %dma_start3A_32] : memref<128x128xi32, #tpu.memory_space<hbm>> -> memref<4x128xi32, #tpu.memory_space<hbm>>
      tpu.enqueue_dma source(%dma_start3A_33 : memref<4x128xi32, #tpu.memory_space<hbm>>) target(%arg7 : memref<4x128xi32, #tpu.memory_space<vmem>>) target_semaphore(%run_scoped3A_30 : memref<!tpu.dma_semaphore, #tpu.memory_space<semaphore_mem>>)
      %dma_wait3A = arith.constant 0 : i32
      %dma_wait3A_34 = tpu.memref_slice %arg3[%add3A, %dma_wait3A] : memref<128x128xi32, #tpu.memory_space<hbm>> -> memref<4x128xi32, #tpu.memory_space<hbm>>
      %dma_wait3A_35 = arith.constant 0 : i32
      %dma_wait3A_36 = tpu.memref_slice %arg3[%add3A, %dma_wait3A_35] : memref<128x128xi32, #tpu.memory_space<hbm>> -> memref<4x128xi32, #tpu.memory_space<hbm>>
      tpu.wait_dma2 semaphore(%run_scoped3A_30 : memref<!tpu.dma_semaphore, #tpu.memory_space<semaphore_mem>>) src(%dma_wait3A_36 : memref<4x128xi32, #tpu.memory_space<hbm>>) dst(%arg7 : memref<4x128xi32, #tpu.memory_space<vmem>>)
      tpu.yield
    }) : () -> ()
    %add3A_5 = arith.constant 0 : i32
    %add3A_6 = arith.addi %add3A, %add3A_5 : i32
    %mul3A_7 = arith.constant 128 : i32
    %mul3A_8 = arith.muli %add3A_6, %mul3A_7 : i32
    "tpu.region"() ({
      %run_scoped3A_30 = tpu.sem_alloc : memref<!tpu.dma_semaphore, #tpu.memory_space<semaphore_mem>>
      %dma_start3A = arith.constant 0 : i32
      %dma_start3A_31 = tpu.memref_slice %arg2[%mul3A_8, %dma_start3A] : memref<16384x128xf32, #tpu.memory_space<hbm>> -> memref<128x128xf32, #tpu.memory_space<hbm>>
      %dma_start3A_32 = arith.constant 0 : i32
      %dma_start3A_33 = tpu.memref_slice %arg2[%mul3A_8, %dma_start3A_32] : memref<16384x128xf32, #tpu.memory_space<hbm>> -> memref<128x128xf32, #tpu.memory_space<hbm>>
      tpu.enqueue_dma source(%dma_start3A_33 : memref<128x128xf32, #tpu.memory_space<hbm>>) target(%arg6 : memref<128x128xf32, #tpu.memory_space<vmem>>) target_semaphore(%run_scoped3A_30 : memref<!tpu.dma_semaphore, #tpu.memory_space<semaphore_mem>>)
      %dma_wait3A = arith.constant 0 : i32
      %dma_wait3A_34 = tpu.memref_slice %arg2[%mul3A_8, %dma_wait3A] : memref<16384x128xf32, #tpu.memory_space<hbm>> -> memref<128x128xf32, #tpu.memory_space<hbm>>
      %dma_wait3A_35 = arith.constant 0 : i32
      %dma_wait3A_36 = tpu.memref_slice %arg2[%mul3A_8, %dma_wait3A_35] : memref<16384x128xf32, #tpu.memory_space<hbm>> -> memref<128x128xf32, #tpu.memory_space<hbm>>
      tpu.wait_dma2 semaphore(%run_scoped3A_30 : memref<!tpu.dma_semaphore, #tpu.memory_space<semaphore_mem>>) src(%dma_wait3A_36 : memref<128x128xf32, #tpu.memory_space<hbm>>) dst(%arg6 : memref<128x128xf32, #tpu.memory_space<vmem>>)
      tpu.yield
    }) : () -> ()
    %run_scoped3A = arith.constant 0 : i32
    "tpu.region"() ({
      %run_scoped3A_30 = tpu.sem_alloc : memref<!tpu.dma_semaphore, #tpu.memory_space<semaphore_mem>>
      %dma_start3A = arith.constant 0 : i32
      %dma_start3A_31 = tpu.memref_slice %arg7[%run_scoped3A, %dma_start3A] : memref<4x128xi32, #tpu.memory_space<vmem>> -> memref<1x128xi32, #tpu.memory_space<vmem>>
      %dma_start3A_32 = tpu.memref_squeeze %dma_start3A_31 : memref<1x128xi32, #tpu.memory_space<vmem>> -> memref<128xi32, #tpu.memory_space<vmem>>
      %dma_start3A_33 = arith.constant 0 : i32
      %dma_start3A_34 = arith.constant 0 : i32
      %dma_start3A_35 = tpu.memref_slice %arg8[%dma_start3A_33, %dma_start3A_34] : memref<104x128xf32, #tpu.memory_space<vmem_shared>> -> memref<104x128xf32, #tpu.memory_space<vmem_shared>>
      tpu.enqueue_indirect_dma source(%arg6 : memref<128x128xf32, #tpu.memory_space<vmem>>) target(%dma_start3A_35 : memref<104x128xf32, #tpu.memory_space<vmem_shared>>) offsets(%dma_start3A_32 : memref<128xi32, #tpu.memory_space<vmem>>) semaphore(%run_scoped3A_30 : memref<!tpu.dma_semaphore, #tpu.memory_space<semaphore_mem>>) {add = true}
      %dma_wait3A = arith.constant 0 : i32
      %dma_wait3A_36 = tpu.memref_slice %arg7[%run_scoped3A, %dma_wait3A] : memref<4x128xi32, #tpu.memory_space<vmem>> -> memref<1x128xi32, #tpu.memory_space<vmem>>
      %dma_wait3A_37 = tpu.memref_squeeze %dma_wait3A_36 : memref<1x128xi32, #tpu.memory_space<vmem>> -> memref<128xi32, #tpu.memory_space<vmem>>
      %dma_wait3A_38 = arith.constant 0 : i32
      %dma_wait3A_39 = arith.constant 0 : i32
      %dma_wait3A_40 = tpu.memref_slice %arg8[%dma_wait3A_38, %dma_wait3A_39] : memref<104x128xf32, #tpu.memory_space<vmem_shared>> -> memref<104x128xf32, #tpu.memory_space<vmem_shared>>
      tpu.wait_indirect_dma semaphore(%run_scoped3A_30 : memref<!tpu.dma_semaphore, #tpu.memory_space<semaphore_mem>>) src(%arg6 : memref<128x128xf32, #tpu.memory_space<vmem>>) dst(%dma_wait3A_40 : memref<104x128xf32, #tpu.memory_space<vmem_shared>>)
      tpu.yield
    }) : () -> ()
    %add3A_9 = arith.constant 1 : i32
    %add3A_10 = arith.addi %add3A, %add3A_9 : i32
    %mul3A_11 = arith.constant 128 : i32
    %mul3A_12 = arith.muli %add3A_10, %mul3A_11 : i32
    "tpu.region"() ({
      %run_scoped3A_30 = tpu.sem_alloc : memref<!tpu.dma_semaphore, #tpu.memory_space<semaphore_mem>>
      %dma_start3A = arith.constant 0 : i32
      %dma_start3A_31 = tpu.memref_slice %arg2[%mul3A_12, %dma_start3A] : memref<16384x128xf32, #tpu.memory_space<hbm>> -> memref<128x128xf32, #tpu.memory_space<hbm>>
      %dma_start3A_32 = arith.constant 0 : i32
      %dma_start3A_33 = tpu.memref_slice %arg2[%mul3A_12, %dma_start3A_32] : memref<16384x128xf32, #tpu.memory_space<hbm>> -> memref<128x128xf32, #tpu.memory_space<hbm>>
      tpu.enqueue_dma source(%dma_start3A_33 : memref<128x128xf32, #tpu.memory_space<hbm>>) target(%arg6 : memref<128x128xf32, #tpu.memory_space<vmem>>) target_semaphore(%run_scoped3A_30 : memref<!tpu.dma_semaphore, #tpu.memory_space<semaphore_mem>>)
      %dma_wait3A = arith.constant 0 : i32
      %dma_wait3A_34 = tpu.memref_slice %arg2[%mul3A_12, %dma_wait3A] : memref<16384x128xf32, #tpu.memory_space<hbm>> -> memref<128x128xf32, #tpu.memory_space<hbm>>
      %dma_wait3A_35 = arith.constant 0 : i32
      %dma_wait3A_36 = tpu.memref_slice %arg2[%mul3A_12, %dma_wait3A_35] : memref<16384x128xf32, #tpu.memory_space<hbm>> -> memref<128x128xf32, #tpu.memory_space<hbm>>
      tpu.wait_dma2 semaphore(%run_scoped3A_30 : memref<!tpu.dma_semaphore, #tpu.memory_space<semaphore_mem>>) src(%dma_wait3A_36 : memref<128x128xf32, #tpu.memory_space<hbm>>) dst(%arg6 : memref<128x128xf32, #tpu.memory_space<vmem>>)
      tpu.yield
    }) : () -> ()
    %run_scoped3A_13 = arith.constant 1 : i32
    "tpu.region"() ({
      %run_scoped3A_30 = tpu.sem_alloc : memref<!tpu.dma_semaphore, #tpu.memory_space<semaphore_mem>>
      %dma_start3A = arith.constant 0 : i32
      %dma_start3A_31 = tpu.memref_slice %arg7[%run_scoped3A_13, %dma_start3A] : memref<4x128xi32, #tpu.memory_space<vmem>> -> memref<1x128xi32, #tpu.memory_space<vmem>>
      %dma_start3A_32 = tpu.memref_squeeze %dma_start3A_31 : memref<1x128xi32, #tpu.memory_space<vmem>> -> memref<128xi32, #tpu.memory_space<vmem>>
      %dma_start3A_33 = arith.constant 0 : i32
      %dma_start3A_34 = arith.constant 0 : i32
      %dma_start3A_35 = tpu.memref_slice %arg8[%dma_start3A_33, %dma_start3A_34] : memref<104x128xf32, #tpu.memory_space<vmem_shared>> -> memref<104x128xf32, #tpu.memory_space<vmem_shared>>
      tpu.enqueue_indirect_dma source(%arg6 : memref<128x128xf32, #tpu.memory_space<vmem>>) target(%dma_start3A_35 : memref<104x128xf32, #tpu.memory_space<vmem_shared>>) offsets(%dma_start3A_32 : memref<128xi32, #tpu.memory_space<vmem>>) semaphore(%run_scoped3A_30 : memref<!tpu.dma_semaphore, #tpu.memory_space<semaphore_mem>>) {add = true}
      %dma_wait3A = arith.constant 0 : i32
      %dma_wait3A_36 = tpu.memref_slice %arg7[%run_scoped3A_13, %dma_wait3A] : memref<4x128xi32, #tpu.memory_space<vmem>> -> memref<1x128xi32, #tpu.memory_space<vmem>>
      %dma_wait3A_37 = tpu.memref_squeeze %dma_wait3A_36 : memref<1x128xi32, #tpu.memory_space<vmem>> -> memref<128xi32, #tpu.memory_space<vmem>>
      %dma_wait3A_38 = arith.constant 0 : i32
      %dma_wait3A_39 = arith.constant 0 : i32
      %dma_wait3A_40 = tpu.memref_slice %arg8[%dma_wait3A_38, %dma_wait3A_39] : memref<104x128xf32, #tpu.memory_space<vmem_shared>> -> memref<104x128xf32, #tpu.memory_space<vmem_shared>>
      tpu.wait_indirect_dma semaphore(%run_scoped3A_30 : memref<!tpu.dma_semaphore, #tpu.memory_space<semaphore_mem>>) src(%arg6 : memref<128x128xf32, #tpu.memory_space<vmem>>) dst(%dma_wait3A_40 : memref<104x128xf32, #tpu.memory_space<vmem_shared>>)
      tpu.yield
    }) : () -> ()
    %add3A_14 = arith.constant 2 : i32
    %add3A_15 = arith.addi %add3A, %add3A_14 : i32
    %mul3A_16 = arith.constant 128 : i32
    %mul3A_17 = arith.muli %add3A_15, %mul3A_16 : i32
    "tpu.region"() ({
      %run_scoped3A_30 = tpu.sem_alloc : memref<!tpu.dma_semaphore, #tpu.memory_space<semaphore_mem>>
      %dma_start3A = arith.constant 0 : i32
      %dma_start3A_31 = tpu.memref_slice %arg2[%mul3A_17, %dma_start3A] : memref<16384x128xf32, #tpu.memory_space<hbm>> -> memref<128x128xf32, #tpu.memory_space<hbm>>
      %dma_start3A_32 = arith.constant 0 : i32
      %dma_start3A_33 = tpu.memref_slice %arg2[%mul3A_17, %dma_start3A_32] : memref<16384x128xf32, #tpu.memory_space<hbm>> -> memref<128x128xf32, #tpu.memory_space<hbm>>
      tpu.enqueue_dma source(%dma_start3A_33 : memref<128x128xf32, #tpu.memory_space<hbm>>) target(%arg6 : memref<128x128xf32, #tpu.memory_space<vmem>>) target_semaphore(%run_scoped3A_30 : memref<!tpu.dma_semaphore, #tpu.memory_space<semaphore_mem>>)
      %dma_wait3A = arith.constant 0 : i32
      %dma_wait3A_34 = tpu.memref_slice %arg2[%mul3A_17, %dma_wait3A] : memref<16384x128xf32, #tpu.memory_space<hbm>> -> memref<128x128xf32, #tpu.memory_space<hbm>>
      %dma_wait3A_35 = arith.constant 0 : i32
      %dma_wait3A_36 = tpu.memref_slice %arg2[%mul3A_17, %dma_wait3A_35] : memref<16384x128xf32, #tpu.memory_space<hbm>> -> memref<128x128xf32, #tpu.memory_space<hbm>>
      tpu.wait_dma2 semaphore(%run_scoped3A_30 : memref<!tpu.dma_semaphore, #tpu.memory_space<semaphore_mem>>) src(%dma_wait3A_36 : memref<128x128xf32, #tpu.memory_space<hbm>>) dst(%arg6 : memref<128x128xf32, #tpu.memory_space<vmem>>)
      tpu.yield
    }) : () -> ()
    %run_scoped3A_18 = arith.constant 2 : i32
    "tpu.region"() ({
      %run_scoped3A_30 = tpu.sem_alloc : memref<!tpu.dma_semaphore, #tpu.memory_space<semaphore_mem>>
      %dma_start3A = arith.constant 0 : i32
      %dma_start3A_31 = tpu.memref_slice %arg7[%run_scoped3A_18, %dma_start3A] : memref<4x128xi32, #tpu.memory_space<vmem>> -> memref<1x128xi32, #tpu.memory_space<vmem>>
      %dma_start3A_32 = tpu.memref_squeeze %dma_start3A_31 : memref<1x128xi32, #tpu.memory_space<vmem>> -> memref<128xi32, #tpu.memory_space<vmem>>
      %dma_start3A_33 = arith.constant 0 : i32
      %dma_start3A_34 = arith.constant 0 : i32
      %dma_start3A_35 = tpu.memref_slice %arg8[%dma_start3A_33, %dma_start3A_34] : memref<104x128xf32, #tpu.memory_space<vmem_shared>> -> memref<104x128xf32, #tpu.memory_space<vmem_shared>>
      tpu.enqueue_indirect_dma source(%arg6 : memref<128x128xf32, #tpu.memory_space<vmem>>) target(%dma_start3A_35 : memref<104x128xf32, #tpu.memory_space<vmem_shared>>) offsets(%dma_start3A_32 : memref<128xi32, #tpu.memory_space<vmem>>) semaphore(%run_scoped3A_30 : memref<!tpu.dma_semaphore, #tpu.memory_space<semaphore_mem>>) {add = true}
      %dma_wait3A = arith.constant 0 : i32
      %dma_wait3A_36 = tpu.memref_slice %arg7[%run_scoped3A_18, %dma_wait3A] : memref<4x128xi32, #tpu.memory_space<vmem>> -> memref<1x128xi32, #tpu.memory_space<vmem>>
      %dma_wait3A_37 = tpu.memref_squeeze %dma_wait3A_36 : memref<1x128xi32, #tpu.memory_space<vmem>> -> memref<128xi32, #tpu.memory_space<vmem>>
      %dma_wait3A_38 = arith.constant 0 : i32
      %dma_wait3A_39 = arith.constant 0 : i32
      %dma_wait3A_40 = tpu.memref_slice %arg8[%dma_wait3A_38, %dma_wait3A_39] : memref<104x128xf32, #tpu.memory_space<vmem_shared>> -> memref<104x128xf32, #tpu.memory_space<vmem_shared>>
      tpu.wait_indirect_dma semaphore(%run_scoped3A_30 : memref<!tpu.dma_semaphore, #tpu.memory_space<semaphore_mem>>) src(%arg6 : memref<128x128xf32, #tpu.memory_space<vmem>>) dst(%dma_wait3A_40 : memref<104x128xf32, #tpu.memory_space<vmem_shared>>)
      tpu.yield
    }) : () -> ()
    %add3A_19 = arith.constant 3 : i32
    %add3A_20 = arith.addi %add3A, %add3A_19 : i32
    %mul3A_21 = arith.constant 128 : i32
    %mul3A_22 = arith.muli %add3A_20, %mul3A_21 : i32
    "tpu.region"() ({
      %run_scoped3A_30 = tpu.sem_alloc : memref<!tpu.dma_semaphore, #tpu.memory_space<semaphore_mem>>
      %dma_start3A = arith.constant 0 : i32
      %dma_start3A_31 = tpu.memref_slice %arg2[%mul3A_22, %dma_start3A] : memref<16384x128xf32, #tpu.memory_space<hbm>> -> memref<128x128xf32, #tpu.memory_space<hbm>>
      %dma_start3A_32 = arith.constant 0 : i32
      %dma_start3A_33 = tpu.memref_slice %arg2[%mul3A_22, %dma_start3A_32] : memref<16384x128xf32, #tpu.memory_space<hbm>> -> memref<128x128xf32, #tpu.memory_space<hbm>>
      tpu.enqueue_dma source(%dma_start3A_33 : memref<128x128xf32, #tpu.memory_space<hbm>>) target(%arg6 : memref<128x128xf32, #tpu.memory_space<vmem>>) target_semaphore(%run_scoped3A_30 : memref<!tpu.dma_semaphore, #tpu.memory_space<semaphore_mem>>)
      %dma_wait3A = arith.constant 0 : i32
      %dma_wait3A_34 = tpu.memref_slice %arg2[%mul3A_22, %dma_wait3A] : memref<16384x128xf32, #tpu.memory_space<hbm>> -> memref<128x128xf32, #tpu.memory_space<hbm>>
      %dma_wait3A_35 = arith.constant 0 : i32
      %dma_wait3A_36 = tpu.memref_slice %arg2[%mul3A_22, %dma_wait3A_35] : memref<16384x128xf32, #tpu.memory_space<hbm>> -> memref<128x128xf32, #tpu.memory_space<hbm>>
      tpu.wait_dma2 semaphore(%run_scoped3A_30 : memref<!tpu.dma_semaphore, #tpu.memory_space<semaphore_mem>>) src(%dma_wait3A_36 : memref<128x128xf32, #tpu.memory_space<hbm>>) dst(%arg6 : memref<128x128xf32, #tpu.memory_space<vmem>>)
      tpu.yield
    }) : () -> ()
    %run_scoped3A_23 = arith.constant 3 : i32
    "tpu.region"() ({
      %run_scoped3A_30 = tpu.sem_alloc : memref<!tpu.dma_semaphore, #tpu.memory_space<semaphore_mem>>
      %dma_start3A = arith.constant 0 : i32
      %dma_start3A_31 = tpu.memref_slice %arg7[%run_scoped3A_23, %dma_start3A] : memref<4x128xi32, #tpu.memory_space<vmem>> -> memref<1x128xi32, #tpu.memory_space<vmem>>
      %dma_start3A_32 = tpu.memref_squeeze %dma_start3A_31 : memref<1x128xi32, #tpu.memory_space<vmem>> -> memref<128xi32, #tpu.memory_space<vmem>>
      %dma_start3A_33 = arith.constant 0 : i32
      %dma_start3A_34 = arith.constant 0 : i32
      %dma_start3A_35 = tpu.memref_slice %arg8[%dma_start3A_33, %dma_start3A_34] : memref<104x128xf32, #tpu.memory_space<vmem_shared>> -> memref<104x128xf32, #tpu.memory_space<vmem_shared>>
      tpu.enqueue_indirect_dma source(%arg6 : memref<128x128xf32, #tpu.memory_space<vmem>>) target(%dma_start3A_35 : memref<104x128xf32, #tpu.memory_space<vmem_shared>>) offsets(%dma_start3A_32 : memref<128xi32, #tpu.memory_space<vmem>>) semaphore(%run_scoped3A_30 : memref<!tpu.dma_semaphore, #tpu.memory_space<semaphore_mem>>) {add = true}
      %dma_wait3A = arith.constant 0 : i32
      %dma_wait3A_36 = tpu.memref_slice %arg7[%run_scoped3A_23, %dma_wait3A] : memref<4x128xi32, #tpu.memory_space<vmem>> -> memref<1x128xi32, #tpu.memory_space<vmem>>
      %dma_wait3A_37 = tpu.memref_squeeze %dma_wait3A_36 : memref<1x128xi32, #tpu.memory_space<vmem>> -> memref<128xi32, #tpu.memory_space<vmem>>
      %dma_wait3A_38 = arith.constant 0 : i32
      %dma_wait3A_39 = arith.constant 0 : i32
      %dma_wait3A_40 = tpu.memref_slice %arg8[%dma_wait3A_38, %dma_wait3A_39] : memref<104x128xf32, #tpu.memory_space<vmem_shared>> -> memref<104x128xf32, #tpu.memory_space<vmem_shared>>
      tpu.wait_indirect_dma semaphore(%run_scoped3A_30 : memref<!tpu.dma_semaphore, #tpu.memory_space<semaphore_mem>>) src(%arg6 : memref<128x128xf32, #tpu.memory_space<vmem>>) dst(%dma_wait3A_40 : memref<104x128xf32, #tpu.memory_space<vmem_shared>>)
      tpu.yield
    }) : () -> ()
    %barrier3A_24 = arith.constant 0 : index
    tpu.barrier barrier_id(%barrier3A_24)
    %eq3A_25 = arith.constant 0 : i32
    %eq3A_26 = arith.cmpi eq, %arg1, %eq3A_25 : i32
    %convert_element_type3A_27 = arith.extui %eq3A_26 : i1 to i32
    %cond3A_28 = arith.constant 0 : i32
    %cond3A_29 = arith.cmpi ne, %convert_element_type3A_27, %cond3A_28 : i32
    scf.if %cond3A_29 {
      "tpu.region"() ({
        %run_scoped3A_30 = tpu.sem_alloc : memref<!tpu.dma_semaphore, #tpu.memory_space<semaphore_mem>>
        %dma_start3A = arith.constant 0 : i32
        %dma_start3A_31 = arith.constant 0 : i32
        %dma_start3A_32 = tpu.memref_slice %arg5[%arg0, %dma_start3A, %dma_start3A_31] : memref<2x104x128xf32, #tpu.memory_space<hbm>> -> memref<1x104x128xf32, #tpu.memory_space<hbm>>
        %dma_start3A_33 = tpu.memref_squeeze %dma_start3A_32 : memref<1x104x128xf32, #tpu.memory_space<hbm>> -> memref<104x128xf32, #tpu.memory_space<hbm>>
        tpu.enqueue_dma source(%arg8 : memref<104x128xf32, #tpu.memory_space<vmem_shared>>) target(%dma_start3A_33 : memref<104x128xf32, #tpu.memory_space<hbm>>) target_semaphore(%run_scoped3A_30 : memref<!tpu.dma_semaphore, #tpu.memory_space<semaphore_mem>>)
        %dma_wait3A = arith.constant 0 : i32
        %dma_wait3A_34 = arith.constant 0 : i32
        %dma_wait3A_35 = tpu.memref_slice %arg5[%arg0, %dma_wait3A, %dma_wait3A_34] : memref<2x104x128xf32, #tpu.memory_space<hbm>> -> memref<1x104x128xf32, #tpu.memory_space<hbm>>
        %dma_wait3A_36 = tpu.memref_squeeze %dma_wait3A_35 : memref<1x104x128xf32, #tpu.memory_space<hbm>> -> memref<104x128xf32, #tpu.memory_space<hbm>>
        tpu.wait_dma2 semaphore(%run_scoped3A_30 : memref<!tpu.dma_semaphore, #tpu.memory_space<semaphore_mem>>) src(%arg8 : memref<104x128xf32, #tpu.memory_space<vmem_shared>>) dst(%dma_wait3A_36 : memref<104x128xf32, #tpu.memory_space<hbm>>)
        tpu.yield
      }) : () -> ()
    } else {
    }
    return
  }
}

module attributes {stable_mosaic.version = 14 : i64} {
  func.func @_loss_body(%arg0: memref<128x16384xf32, #tpu.memory_space<vmem>>, %arg1: memref<1x16384xi32, #tpu.memory_space<vmem>>, %arg2: memref<208x128xf32, #tpu.memory_space<vmem>>, %arg3: memref<1x1xf32, #tpu.memory_space<vmem>>) attributes {dimension_semantics = [], scalar_prefetch = 0 : i64, scratch_operands = 0 : i64, tpu.core_type = #tpu.core_type<tc>} {
    %get3A = arith.constant 0 : index
    %get3A_0 = arith.constant 0 : index
    %get3A_1 = vector.load %arg0[%get3A, %get3A_0] : memref<128x16384xf32, #tpu.memory_space<vmem>>, vector<128x16384xf32>
    %get3A_2 = arith.constant 0 : index
    %get3A_3 = arith.constant 0 : index
    %get3A_4 = vector.load %arg1[%get3A_2, %get3A_3] : memref<1x16384xi32, #tpu.memory_space<vmem>>, vector<1x16384xi32>
    %iota3A = tpu.iota {dimensions = array<i32: 0>} : vector<104x16384xi32>
    %eq3A = vector.broadcast %get3A_4 : vector<1x16384xi32> to vector<104x16384xi32>
    %eq3A_5 = arith.cmpi eq, %iota3A, %eq3A : vector<104x16384xi32>
    %convert_element_type3A = arith.extui %eq3A_5 : vector<104x16384xi1> to vector<104x16384xi32>
    %convert_element_type3A_6 = arith.sitofp %convert_element_type3A : vector<104x16384xi32> to vector<104x16384xf32>
    %convert_element_type3A_7 = arith.extui %eq3A_5 : vector<104x16384xi1> to vector<104x16384xi32>
    %convert_element_type3A_8 = arith.sitofp %convert_element_type3A_7 : vector<104x16384xi32> to vector<104x16384xf32>
    %convert_element_type3A_9 = arith.truncf %convert_element_type3A_8 : vector<104x16384xf32> to vector<104x16384xbf16>
    %reduce_sum3A = arith.constant dense<0.000000e+00> : vector<104xf32>
    %reduce_sum3A_10 = vector.multi_reduction <add>, %convert_element_type3A_6, %reduce_sum3A [1] : vector<104x16384xf32> to vector<104xf32>
    %broadcast_in_dim3A = vector.shape_cast %reduce_sum3A_10 : vector<104xf32> to vector<104x1xf32>
    %broadcast_in_dim3A_11 = arith.constant 1.000000e+00 : bf16
    %broadcast_in_dim3A_12 = vector.broadcast %broadcast_in_dim3A_11 : bf16 to vector<1x16384xbf16>
    %dot_general3A = arith.constant dense<0.000000e+00> : vector<1x104xf32>
    %dot_general3A_13 = tpu.matmul %broadcast_in_dim3A_12, %convert_element_type3A_9, %dot_general3A {dimension_numbers = #tpu.dot_dimension_numbers<[1], [1], [0], [0], [0, 0, 1, 0], [], []>, transpose_lhs_hint = false} : vector<1x16384xbf16>, vector<104x16384xbf16>, vector<1x104xf32> -> vector<1x104xf32>
    %get3A_14 = arith.constant 0 : index
    %get3A_15 = arith.constant 0 : index
    %get3A_16 = vector.load %arg2[%get3A_14, %get3A_15] : memref<208x128xf32, #tpu.memory_space<vmem>>, vector<208x128xf32>
    %slice3A = vector.extract_strided_slice %get3A_16 {offsets = [0, 0], sizes = [104, 128], strides = [1, 1]} : vector<208x128xf32> to vector<104x128xf32>
    %slice3A_17 = vector.extract_strided_slice %get3A_16 {offsets = [104, 0], sizes = [104, 128], strides = [1, 1]} : vector<208x128xf32> to vector<104x128xf32>
    %add3A = arith.addf %slice3A, %slice3A_17 : vector<104x128xf32>
    %max3A = arith.constant 1.000000e+00 : f32
    %max3A_18 = vector.broadcast %max3A : f32 to vector<104x1xf32>
    %max3A_19 = arith.maximumf %broadcast_in_dim3A, %max3A_18 : vector<104x1xf32>
    %div3A = vector.broadcast %max3A_19 : vector<104x1xf32> to vector<104x128xf32>
    %div3A_20 = arith.divf %add3A, %div3A : vector<104x128xf32>
    %add3A_21 = arith.constant 9.99999997E-7 : f32
    %add3A_22 = vector.broadcast %add3A_21 : f32 to vector<104x128xf32>
    %add3A_23 = arith.addf %div3A_20, %add3A_22 : vector<104x128xf32>
    %dot_general3A_24 = arith.constant dense<0.000000e+00> : vector<104x16384xf32>
    %dot_general3A_25 = tpu.matmul %add3A_23, %get3A_1, %dot_general3A_24 {dimension_numbers = #tpu.dot_dimension_numbers<[1], [0], [0], [1], [0, 0, 1, 1], [], []>, transpose_lhs_hint = false} : vector<104x128xf32>, vector<128x16384xf32>, vector<104x16384xf32> -> vector<104x16384xf32>
    %mul3A = arith.mulf %add3A_23, %add3A_23 : vector<104x128xf32>
    %reduce_sum3A_26 = arith.constant dense<0.000000e+00> : vector<104xf32>
    %reduce_sum3A_27 = vector.multi_reduction <add>, %mul3A, %reduce_sum3A_26 [1] : vector<104x128xf32> to vector<104xf32>
    %broadcast_in_dim3A_28 = vector.shape_cast %reduce_sum3A_27 : vector<104xf32> to vector<104x1xf32>
    %mul3A_29 = arith.mulf %get3A_1, %get3A_1 : vector<128x16384xf32>
    %reduce_sum3A_30 = arith.constant dense<0.000000e+00> : vector<16384xf32>
    %reduce_sum3A_31 = vector.multi_reduction <add>, %mul3A_29, %reduce_sum3A_30 [0] : vector<128x16384xf32> to vector<16384xf32>
    %broadcast_in_dim3A_32 = vector.shape_cast %reduce_sum3A_31 : vector<16384xf32> to vector<1x16384xf32>
    %mul3A_33 = arith.constant 2.000000e+00 : f32
    %mul3A_34 = vector.broadcast %mul3A_33 : f32 to vector<104x16384xf32>
    %mul3A_35 = arith.mulf %mul3A_34, %dot_general3A_25 : vector<104x16384xf32>
    %sub3A = vector.broadcast %broadcast_in_dim3A_28 : vector<104x1xf32> to vector<104x16384xf32>
    %sub3A_36 = arith.subf %sub3A, %mul3A_35 : vector<104x16384xf32>
    %add3A_37 = vector.broadcast %broadcast_in_dim3A_32 : vector<1x16384xf32> to vector<104x16384xf32>
    %add3A_38 = arith.addf %sub3A_36, %add3A_37 : vector<104x16384xf32>
    %max3A_39 = arith.constant 0.000000e+00 : f32
    %max3A_40 = vector.broadcast %max3A_39 : f32 to vector<104x16384xf32>
    %max3A_41 = arith.maximumf %add3A_38, %max3A_40 : vector<104x16384xf32>
    %sqrt3A = math.sqrt %max3A_41 : vector<104x16384xf32>
    %reduce_max3A = vector.shape_cast %sqrt3A : vector<104x16384xf32> to vector<1x104x16384xf32>
    %reduce_max3A_42 = arith.constant dense<0xFF800000> : vector<1xf32>
    %reduce_max3A_43 = vector.multi_reduction <maximumf>, %reduce_max3A, %reduce_max3A_42 [1, 2] : vector<1x104x16384xf32> to vector<1xf32>
    %reduce_max3A_44 = vector.shape_cast %reduce_max3A_43 : vector<1xf32> to vector<1x1x1xf32>
    %reduce_max3A_45 = vector.extract %reduce_max3A_44[0, 0, 0] : f32 from vector<1x1x1xf32>
    %iota3A_46 = tpu.iota {dimensions = array<i32: 0>} : vector<104x104xi32>
    %iota3A_47 = tpu.iota {dimensions = array<i32: 1>} : vector<104x104xi32>
    %eq3A_48 = arith.cmpi eq, %iota3A_46, %iota3A_47 : vector<104x104xi32>
    %sub3A_49 = arith.constant 6.400000e+01 : f32
    %sub3A_50 = arith.constant 1.000000e+00 : f32
    %sub3A_51 = arith.subf %sub3A_49, %sub3A_50 : f32
    %sub3A_52 = vector.broadcast %sub3A_51 : f32 to vector<104x1xf32>
    %sub3A_53 = arith.subf %broadcast_in_dim3A, %sub3A_52 : vector<104x1xf32>
    %jit3A = arith.constant 6.400000e+01 : f32
    %broadcast_in_dim3A_54 = vector.shape_cast %sub3A_53 : vector<104x1xf32> to vector<104x1xf32>
    %broadcast_in_dim3A_55 = vector.broadcast %broadcast_in_dim3A_54 : vector<104x1xf32> to vector<104x104xf32>
    %broadcast_in_dim3A_56 = vector.broadcast %jit3A : f32 to vector<104x104xf32>
    %select_n3A = arith.select %eq3A_48, %broadcast_in_dim3A_55, %broadcast_in_dim3A_56 : vector<104x104xi1>, vector<104x104xf32>
    %broadcast_in_dim3A_57 = arith.constant -1.000000e+00 : f32
    %broadcast_in_dim3A_58 = vector.broadcast %broadcast_in_dim3A_57 : f32 to vector<104x16384xf32>
    %broadcast_in_dim3A_59 = arith.constant 1.000000e+00 : f32
    %broadcast_in_dim3A_60 = vector.broadcast %broadcast_in_dim3A_59 : f32 to vector<104x16384xf32>
    %add3A_61 = arith.constant 1.000000e+00 : f32
    %add3A_62 = arith.addf %reduce_max3A_45, %add3A_61 : f32
    %mul3A_63 = vector.broadcast %add3A_62 : f32 to vector<104x16384xf32>
    %mul3A_64 = arith.mulf %broadcast_in_dim3A_60, %mul3A_63 : vector<104x16384xf32>
    %scan3A = arith.constant 0 : i32
    %scan3A_65 = arith.constant 32 : i32
    %scan3A_66 = arith.addi %scan3A, %scan3A_65 : i32
    %scan3A_67 = arith.constant 1 : i32
    %scan3A_68:2 = scf.for %scan3A_195 = %scan3A to %scan3A_66 step %scan3A_67 iter_args(%scan3A_196 = %broadcast_in_dim3A_58, %scan3A_197 = %mul3A_64) -> (vector<104x16384xf32>, vector<104x16384xf32>)  : i32 {
      %add3A_198 = arith.addf %scan3A_196, %scan3A_197 : vector<104x16384xf32>
      %mul3A_199 = arith.constant 5.000000e-01 : f32
      %mul3A_200 = vector.broadcast %mul3A_199 : f32 to vector<104x16384xf32>
      %mul3A_201 = arith.mulf %mul3A_200, %add3A_198 : vector<104x16384xf32>
      %le3A = arith.cmpf ole, %sqrt3A, %mul3A_201 : vector<104x16384xf32>
      %convert_element_type3A_202 = arith.extui %le3A : vector<104x16384xi1> to vector<104x16384xi32>
      %convert_element_type3A_203 = arith.sitofp %convert_element_type3A_202 : vector<104x16384xi32> to vector<104x16384xf32>
      %convert_element_type3A_204 = arith.truncf %convert_element_type3A_203 : vector<104x16384xf32> to vector<104x16384xbf16>
      %dot_general3A_205 = arith.constant dense<0.000000e+00> : vector<104x104xf32>
      %dot_general3A_206 = tpu.matmul %convert_element_type3A_204, %convert_element_type3A_9, %dot_general3A_205 {dimension_numbers = #tpu.dot_dimension_numbers<[1], [1], [0], [0], [0, 0, 1, 0], [], []>, transpose_lhs_hint = false} : vector<104x16384xbf16>, vector<104x16384xbf16>, vector<104x104xf32> -> vector<104x104xf32>
      %ge3A = arith.cmpf oge, %dot_general3A_206, %select_n3A : vector<104x104xf32>
      %convert_element_type3A_207 = arith.extui %ge3A : vector<104x104xi1> to vector<104x104xi32>
      %convert_element_type3A_208 = arith.sitofp %convert_element_type3A_207 : vector<104x104xi32> to vector<104x104xf32>
      %convert_element_type3A_209 = arith.truncf %convert_element_type3A_208 : vector<104x104xf32> to vector<104x104xbf16>
      %dot_general3A_210 = arith.constant dense<0.000000e+00> : vector<104x16384xf32>
      %dot_general3A_211 = tpu.matmul %convert_element_type3A_209, %convert_element_type3A_9, %dot_general3A_210 {dimension_numbers = #tpu.dot_dimension_numbers<[1], [0], [0], [1], [0, 0, 1, 1], [], []>, transpose_lhs_hint = false} : vector<104x104xbf16>, vector<104x16384xbf16>, vector<104x16384xf32> -> vector<104x16384xf32>
      %gt3A_212 = arith.constant 5.000000e-01 : f32
      %gt3A_213 = vector.broadcast %gt3A_212 : f32 to vector<104x16384xf32>
      %gt3A_214 = arith.cmpf ogt, %dot_general3A_211, %gt3A_213 : vector<104x16384xf32>
      %select_n3A_215 = arith.select %gt3A_214, %scan3A_196, %mul3A_201 : vector<104x16384xi1>, vector<104x16384xf32>
      %select_n3A_216 = arith.select %gt3A_214, %mul3A_201, %scan3A_197 : vector<104x16384xi1>, vector<104x16384xf32>
      scf.yield %select_n3A_215, %select_n3A_216 : vector<104x16384xf32>, vector<104x16384xf32>
    }
    %lt3A = arith.cmpf olt, %sqrt3A, %scan3A_68#1 : vector<104x16384xf32>
    %convert_element_type3A_69 = arith.extui %lt3A : vector<104x16384xi1> to vector<104x16384xi32>
    %convert_element_type3A_70 = arith.sitofp %convert_element_type3A_69 : vector<104x16384xi32> to vector<104x16384xf32>
    %convert_element_type3A_71 = arith.truncf %convert_element_type3A_70 : vector<104x16384xf32> to vector<104x16384xbf16>
    %dot_general3A_72 = arith.constant dense<0.000000e+00> : vector<104x104xf32>
    %dot_general3A_73 = tpu.matmul %convert_element_type3A_71, %convert_element_type3A_9, %dot_general3A_72 {dimension_numbers = #tpu.dot_dimension_numbers<[1], [1], [0], [0], [0, 0, 1, 0], [], []>, transpose_lhs_hint = false} : vector<104x16384xbf16>, vector<104x16384xbf16>, vector<104x104xf32> -> vector<104x104xf32>
    %jit3A_74 = arith.constant 0.000000e+00 : f32
    %broadcast_in_dim3A_75 = vector.broadcast %jit3A_74 : f32 to vector<104x16384xf32>
    %select_n3A_76 = arith.select %lt3A, %sqrt3A, %broadcast_in_dim3A_75 : vector<104x16384xi1>, vector<104x16384xf32>
    %convert_element_type3A_77 = arith.truncf %select_n3A_76 : vector<104x16384xf32> to vector<104x16384xbf16>
    %convert_element_type3A_78 = arith.extf %convert_element_type3A_77 : vector<104x16384xbf16> to vector<104x16384xf32>
    %sub3A_79 = arith.subf %select_n3A_76, %convert_element_type3A_78 : vector<104x16384xf32>
    %convert_element_type3A_80 = arith.truncf %sub3A_79 : vector<104x16384xf32> to vector<104x16384xbf16>
    %dot_general3A_81 = arith.constant dense<0.000000e+00> : vector<104x104xf32>
    %dot_general3A_82 = tpu.matmul %convert_element_type3A_77, %convert_element_type3A_9, %dot_general3A_81 {dimension_numbers = #tpu.dot_dimension_numbers<[1], [1], [0], [0], [0, 0, 1, 0], [], []>, transpose_lhs_hint = false} : vector<104x16384xbf16>, vector<104x16384xbf16>, vector<104x104xf32> -> vector<104x104xf32>
    %dot_general3A_83 = arith.constant dense<0.000000e+00> : vector<104x104xf32>
    %dot_general3A_84 = tpu.matmul %convert_element_type3A_80, %convert_element_type3A_9, %dot_general3A_83 {dimension_numbers = #tpu.dot_dimension_numbers<[1], [1], [0], [0], [0, 0, 1, 0], [], []>, transpose_lhs_hint = false} : vector<104x16384xbf16>, vector<104x16384xbf16>, vector<104x104xf32> -> vector<104x104xf32>
    %add3A_85 = arith.addf %dot_general3A_82, %dot_general3A_84 : vector<104x104xf32>
    %convert_element_type3A_86 = arith.truncf %scan3A_68#1 : vector<104x16384xf32> to vector<104x16384xbf16>
    %convert_element_type3A_87 = arith.extf %convert_element_type3A_86 : vector<104x16384xbf16> to vector<104x16384xf32>
    %sub3A_88 = arith.subf %scan3A_68#1, %convert_element_type3A_87 : vector<104x16384xf32>
    %convert_element_type3A_89 = arith.truncf %sub3A_88 : vector<104x16384xf32> to vector<104x16384xbf16>
    %dot_general3A_90 = arith.constant dense<0.000000e+00> : vector<104x104xf32>
    %dot_general3A_91 = tpu.matmul %convert_element_type3A_86, %convert_element_type3A_9, %dot_general3A_90 {dimension_numbers = #tpu.dot_dimension_numbers<[1], [1], [0], [0], [0, 0, 1, 0], [], []>, transpose_lhs_hint = false} : vector<104x16384xbf16>, vector<104x16384xbf16>, vector<104x104xf32> -> vector<104x104xf32>
    %dot_general3A_92 = arith.constant dense<0.000000e+00> : vector<104x104xf32>
    %dot_general3A_93 = tpu.matmul %convert_element_type3A_89, %convert_element_type3A_9, %dot_general3A_92 {dimension_numbers = #tpu.dot_dimension_numbers<[1], [1], [0], [0], [0, 0, 1, 0], [], []>, transpose_lhs_hint = false} : vector<104x16384xbf16>, vector<104x16384xbf16>, vector<104x104xf32> -> vector<104x104xf32>
    %add3A_94 = arith.addf %dot_general3A_91, %dot_general3A_93 : vector<104x104xf32>
    %max3A_95 = arith.constant 1.000000e+00 : f32
    %max3A_96 = vector.broadcast %max3A_95 : f32 to vector<1x104xf32>
    %max3A_97 = arith.maximumf %dot_general3A_13, %max3A_96 : vector<1x104xf32>
    %div3A_98 = vector.broadcast %max3A_97 : vector<1x104xf32> to vector<104x104xf32>
    %div3A_99 = arith.divf %add3A_94, %div3A_98 : vector<104x104xf32>
    %sub3A_100 = arith.constant 6.400000e+01 : f32
    %sub3A_101 = vector.broadcast %sub3A_100 : f32 to vector<104x104xf32>
    %sub3A_102 = arith.subf %sub3A_101, %dot_general3A_73 : vector<104x104xf32>
    %mul3A_103 = arith.mulf %sub3A_102, %div3A_99 : vector<104x104xf32>
    %add3A_104 = arith.addf %add3A_85, %mul3A_103 : vector<104x104xf32>
    %div3A_105 = arith.constant 6.400000e+01 : f32
    %div3A_106 = vector.broadcast %div3A_105 : f32 to vector<104x104xf32>
    %div3A_107 = arith.divf %add3A_104, %div3A_106 : vector<104x104xf32>
    %lt3A_108 = arith.constant 6.400000e+01 : f32
    %lt3A_109 = vector.broadcast %lt3A_108 : f32 to vector<1x104xf32>
    %lt3A_110 = arith.cmpf olt, %dot_general3A_13, %lt3A_109 : vector<1x104xf32>
    %jit3A_111 = arith.constant 1.000000e+30 : f32
    %broadcast_in_dim3A_112 = vector.shape_cast %lt3A_110 : vector<1x104xi1> to vector<1x104xi1>
    %broadcast_in_dim3A_113 = vector.broadcast %broadcast_in_dim3A_112 : vector<1x104xi1> to vector<104x104xi1>
    %broadcast_in_dim3A_114 = vector.broadcast %jit3A_111 : f32 to vector<104x104xf32>
    %select_n3A_115 = arith.select %broadcast_in_dim3A_113, %broadcast_in_dim3A_114, %div3A_107 : vector<104x104xi1>, vector<104x104xf32>
    %mul3A_116 = arith.mulf %convert_element_type3A_6, %sqrt3A : vector<104x16384xf32>
    %reduce_sum3A_117 = arith.constant dense<0.000000e+00> : vector<104xf32>
    %reduce_sum3A_118 = vector.multi_reduction <add>, %mul3A_116, %reduce_sum3A_117 [1] : vector<104x16384xf32> to vector<104xf32>
    %broadcast_in_dim3A_119 = vector.shape_cast %reduce_sum3A_118 : vector<104xf32> to vector<104x1xf32>
    %jit3A_120 = arith.constant 0.000000e+00 : f32
    %broadcast_in_dim3A_121 = vector.broadcast %jit3A_120 : f32 to vector<104x104xf32>
    %select_n3A_122 = arith.select %eq3A_48, %div3A_99, %broadcast_in_dim3A_121 : vector<104x104xi1>, vector<104x104xf32>
    %reduce_sum3A_123 = arith.constant dense<0.000000e+00> : vector<104xf32>
    %reduce_sum3A_124 = vector.multi_reduction <add>, %select_n3A_122, %reduce_sum3A_123 [1] : vector<104x104xf32> to vector<104xf32>
    %broadcast_in_dim3A_125 = vector.shape_cast %reduce_sum3A_124 : vector<104xf32> to vector<104x1xf32>
    %jit3A_126 = arith.constant 0.000000e+00 : f32
    %broadcast_in_dim3A_127 = vector.broadcast %jit3A_126 : f32 to vector<104x104xf32>
    %select_n3A_128 = arith.select %eq3A_48, %dot_general3A_73, %broadcast_in_dim3A_127 : vector<104x104xi1>, vector<104x104xf32>
    %reduce_sum3A_129 = arith.constant dense<0.000000e+00> : vector<104xf32>
    %reduce_sum3A_130 = vector.multi_reduction <add>, %select_n3A_128, %reduce_sum3A_129 [1] : vector<104x104xf32> to vector<104xf32>
    %broadcast_in_dim3A_131 = vector.shape_cast %reduce_sum3A_130 : vector<104xf32> to vector<104x1xf32>
    %jit3A_132 = arith.constant 0.000000e+00 : f32
    %broadcast_in_dim3A_133 = vector.broadcast %jit3A_132 : f32 to vector<104x104xf32>
    %select_n3A_134 = arith.select %eq3A_48, %add3A_85, %broadcast_in_dim3A_133 : vector<104x104xi1>, vector<104x104xf32>
    %reduce_sum3A_135 = arith.constant dense<0.000000e+00> : vector<104xf32>
    %reduce_sum3A_136 = vector.multi_reduction <add>, %select_n3A_134, %reduce_sum3A_135 [1] : vector<104x104xf32> to vector<104xf32>
    %broadcast_in_dim3A_137 = vector.shape_cast %reduce_sum3A_136 : vector<104xf32> to vector<104x1xf32>
    %sub3A_138 = arith.subf %broadcast_in_dim3A_119, %broadcast_in_dim3A_137 : vector<104x1xf32>
    %sub3A_139 = arith.constant 6.400000e+01 : f32
    %sub3A_140 = vector.broadcast %sub3A_139 : f32 to vector<104x1xf32>
    %sub3A_141 = arith.subf %sub3A_140, %broadcast_in_dim3A : vector<104x1xf32>
    %add3A_142 = arith.addf %sub3A_141, %broadcast_in_dim3A_131 : vector<104x1xf32>
    %mul3A_143 = arith.mulf %add3A_142, %broadcast_in_dim3A_125 : vector<104x1xf32>
    %add3A_144 = arith.addf %sub3A_138, %mul3A_143 : vector<104x1xf32>
    %div3A_145 = arith.constant 6.400000e+01 : f32
    %div3A_146 = vector.broadcast %div3A_145 : f32 to vector<104x1xf32>
    %div3A_147 = arith.divf %add3A_144, %div3A_146 : vector<104x1xf32>
    %lt3A_148 = arith.constant 6.400000e+01 : f32
    %lt3A_149 = vector.broadcast %lt3A_148 : f32 to vector<104x1xf32>
    %lt3A_150 = arith.cmpf olt, %broadcast_in_dim3A, %lt3A_149 : vector<104x1xf32>
    %jit3A_151 = arith.constant -1.000000e+30 : f32
    %broadcast_in_dim3A_152 = vector.broadcast %jit3A_151 : f32 to vector<104x1xf32>
    %select_n3A_153 = arith.select %lt3A_150, %broadcast_in_dim3A_152, %div3A_147 : vector<104x1xi1>, vector<104x1xf32>
    %add3A_154 = arith.constant 1.000000e+00 : f32
    %add3A_155 = vector.broadcast %add3A_154 : f32 to vector<104x1xf32>
    %add3A_156 = arith.addf %add3A_155, %select_n3A_153 : vector<104x1xf32>
    %sub3A_157 = vector.broadcast %add3A_156 : vector<104x1xf32> to vector<104x104xf32>
    %sub3A_158 = arith.subf %sub3A_157, %select_n3A_115 : vector<104x104xf32>
    %max3A_159 = arith.constant 0.000000e+00 : f32
    %max3A_160 = vector.broadcast %max3A_159 : f32 to vector<104x104xf32>
    %max3A_161 = arith.maximumf %sub3A_158, %max3A_160 : vector<104x104xf32>
    %gt3A = arith.constant 0.000000e+00 : f32
    %gt3A_162 = vector.broadcast %gt3A : f32 to vector<104x1xf32>
    %gt3A_163 = arith.cmpf ogt, %broadcast_in_dim3A, %gt3A_162 : vector<104x1xf32>
    %gt3A_164 = arith.constant 0.000000e+00 : f32
    %gt3A_165 = vector.broadcast %gt3A_164 : f32 to vector<1x104xf32>
    %gt3A_166 = arith.cmpf ogt, %dot_general3A_13, %gt3A_165 : vector<1x104xf32>
    %and3A = vector.broadcast %gt3A_163 : vector<104x1xi1> to vector<104x104xi1>
    %and3A_167 = vector.broadcast %gt3A_166 : vector<1x104xi1> to vector<104x104xi1>
    %and3A_168 = arith.andi %and3A, %and3A_167 : vector<104x104xi1>
    %not3A = arith.constant dense<true> : vector<104x104xi1>
    %not3A_169 = arith.xori %eq3A_48, %not3A : vector<104x104xi1>
    %and3A_170 = arith.andi %and3A_168, %not3A_169 : vector<104x104xi1>
    %jit3A_171 = arith.constant 0.000000e+00 : f32
    %broadcast_in_dim3A_172 = vector.broadcast %jit3A_171 : f32 to vector<104x104xf32>
    %select_n3A_173 = arith.select %and3A_170, %max3A_161, %broadcast_in_dim3A_172 : vector<104x104xi1>, vector<104x104xf32>
    %reduce_sum3A_174 = vector.shape_cast %select_n3A_173 : vector<104x104xf32> to vector<1x104x104xf32>
    %reduce_sum3A_175 = arith.constant dense<0.000000e+00> : vector<1xf32>
    %reduce_sum3A_176 = vector.multi_reduction <add>, %reduce_sum3A_174, %reduce_sum3A_175 [1, 2] : vector<1x104x104xf32> to vector<1xf32>
    %reduce_sum3A_177 = vector.shape_cast %reduce_sum3A_176 : vector<1xf32> to vector<1x1x1xf32>
    %reduce_sum3A_178 = vector.extract %reduce_sum3A_177[0, 0, 0] : f32 from vector<1x1x1xf32>
    %convert_element_type3A_179 = arith.extui %gt3A_163 : vector<104x1xi1> to vector<104x1xi32>
    %convert_element_type3A_180 = arith.sitofp %convert_element_type3A_179 : vector<104x1xi32> to vector<104x1xf32>
    %reduce_sum3A_181 = vector.shape_cast %convert_element_type3A_180 : vector<104x1xf32> to vector<1x104x1xf32>
    %reduce_sum3A_182 = arith.constant dense<0.000000e+00> : vector<1xf32>
    %reduce_sum3A_183 = vector.multi_reduction <add>, %reduce_sum3A_181, %reduce_sum3A_182 [1, 2] : vector<1x104x1xf32> to vector<1xf32>
    %reduce_sum3A_184 = vector.shape_cast %reduce_sum3A_183 : vector<1xf32> to vector<1x1x1xf32>
    %reduce_sum3A_185 = vector.extract %reduce_sum3A_184[0, 0, 0] : f32 from vector<1x1x1xf32>
    %add3A_186 = arith.constant 1.000000e+00 : f32
    %add3A_187 = arith.addf %reduce_sum3A_185, %add3A_186 : f32
    %mul3A_188 = arith.constant 5.000000e-01 : f32
    %mul3A_189 = arith.mulf %reduce_sum3A_185, %mul3A_188 : f32
    %mul3A_190 = arith.mulf %add3A_187, %mul3A_189 : f32
    %div3A_191 = arith.divf %reduce_sum3A_178, %mul3A_190 : f32
    %broadcast_in_dim3A_192 = vector.broadcast %div3A_191 : f32 to vector<1x1xf32>
    %swap3A = arith.constant 0 : index
    %swap3A_193 = arith.constant 0 : index
    %swap3A_194 = vector.load %arg3[%swap3A, %swap3A_193] : memref<1x1xf32, #tpu.memory_space<vmem>>, vector<1x1xf32>
    tpu.vector_store %arg3[%swap3A, %swap3A_193], %broadcast_in_dim3A_192 {strides = array<i32>} : memref<1x1xf32, #tpu.memory_space<vmem>>, vector<1x1xf32>,
    return
  }
}

</mosaic_0001>

<sc_bundles>
// kernel: kernel.4.cloned.1.call-start
scs
__scs_entry_jumppad:
0x0: {  	(pc) =	sbr.rel $0x88, $3  }
0x1: {  	(tag) =	ssettag $0x0;
	lr =	simm.s32 $0x1  }
0x2: {  	[smem:$0x3F9F] =	sst lr;
	_ =	strace $0xD0000000  }
0x3: {  	_ = 	snop  }
0x4: {  	_ = 	snop  }
0x5: {  	_ = 	snop  }
0x6: {  	_ = 	snop  }
0x7: {  	_ = 	snop  }
__scs_overlays_trampoline_lowered:
0x8: {  	[smem:$0x3FAE] =	sst s0  }
0x9: {  	[smem:$0x3FAF] =	sst s1  }
0xa: {  	[smem:$0x3FB0] =	sst s2  }
0xb: {  	[smem:$0x3FB1] =	sst s3  }
0xc: {  	[smem:$0x3FB2] =	sst s4  }
0xd: {  	[smem:$0x3FB3] =	sst s5  }
0xe: {  	[smem:$0x3FB4] =	sst s6  }
0xf: {  	[smem:$0x3FB5] =	sst s7  }
0x10: {  	[smem:$0x3FB6] =	sst s8  }
0x11: {  	[smem:$0x3FB7] =	sst s9;
	s0 =	simm.s32 @!p0 $0x0  }
0x12: {  	s1 =	sld [smem:$0x3F9D];
	s0 =	simm.s32 @p0 $0x1  }
0x13: {  	[smem:$0x3FB8] =	sst s0;
	s0 =	simm.s32 @!p1 $0x0  }
0x14: {  	s2 =	sld [smem:$0x3F9C];
	s0 =	simm.s32 @p1 $0x1  }
0x15: {  	[smem:$0x3FB9] =	sst s0;
	s0 =	simm.s32 @!p2 $0x0  }
0x16: {  	s3 =	sld [smem:$0x3FDB];
	s0 =	simm.s32 @p2 $0x1  }
0x17: {  	s4 =	simm.s32 $0x1BF5;
	[smem:$0x3FBB] =	sst s0  }
0x18: {  	s0 =	sld [smem:$0x3F9E];
	_ =	swait.ge [sflag:s4], $0x0  }
0x19: {  	s7 =	sld [smem:$0x3F9F]  }
0x1a: {  	s8 =	sadd.s32 $0xFFFFE003, lr  }
0x1b: {  	s9 =	sadd.s32 $0xFFFFFEF7, lr;
	s5 =	simm.s32 $0xFFFFFFFF;
	p2 =	slt.u32 s8, $0xFFFFF086  }
0x1c: {  	p1 =	slt.u32 s9, $0xF7A;
	s5 =	simm.s32 @!p2 $0x0  }
0x1d: {  	s5 =	simm.s32 @p1 $0x1;
	p0 =	seq.s32 s7, s2  }
0x1e: {  	s7 =	smul.u32 @!p0 $0xF7A, s2;
	p2 =	seq.s32 @!p0 s5, $0x0  }
0x1f: {  	s9 =	smul.u32 $0xF7A, s1;
	s8 =	simm.s32 @!p0 $0x1BF5;
	p2 =	por !p2, p0  }
0x20: {  	[sflag:s8] =	ssyncset.s32 @!p0 $0xFFFFF086;
	s6 =	sadd.s32 @!p0 s3, s7;
	s7 =	simm.s32 @!p0 $0x108  }
0x21: {  	s3 =	sadd.s32 s3, s9;
	s6 =	sadd.s32 @!p0 $0x88, s6;
	s7 =	simm.s32 @p2 $0x1082  }
0x22: {  	[simem:s7], [sflag:s8] =	dma.local @!p0 [hbm:s6], $0xF7A  }
0x23: {  	s9 =	sor.u32 $0xD0000000, s2;
	s6 =	simm.s32 $0x108;
	_ =	swait.ge @!p0 [sflag:s8], $0x0  }
0x24: {  	s3 =	sadd.s32 $0x88, s3;
	s6 =	simm.s32 @!p1 $0x1082;
	[sflag:s4] =	ssyncset.s32 $0xFFFFF086  }
0x25: {  	[simem:s6], [sflag:s4] =	dma.local [hbm:s3], $0xF7A  }
0x26: {  	[smem:$0x3F9F] =	sst s1;
	(tag) =	ssettag s2;
	_ =	strace s9  }
0x27: {  	s1 =	sld [smem:$0x3FAF]  }
0x28: {  	s2 =	sld [smem:$0x3FB0]  }
0x29: {  	s4 =	sld [smem:$0x3FB2]  }
0x2a: {  	p0 =	seq.s32 s5, $0x0;
	s5 =	sld [smem:$0x3FB3]  }
0x2b: {  	s6 =	sld [smem:$0x3FB4]  }
0x2c: {  	s7 =	sld [smem:$0x3FB5]  }
0x2d: {  	s3 =	simm.s32 $0x108;
	s8 =	sld [smem:$0x3FB6]  }
0x2e: {  	s3 =	simm.s32 @!p0 $0x1082;
	s9 =	sld [smem:$0x3FB7]  }
0x2f: {  	lr =	sadd.s32 s0, s3;
	s0 =	sld [smem:$0x3FAE]  }
0x30: {  	s3 =	sld [smem:$0x3FB1]  }
0x31: {  	[smem:$0x3FBA] =	sst s10  }
0x32: {  	s10 =	sld [smem:$0x3FB8];
	_ =	sdelay $0x3  }
0x33: {  	p0 =	seq.s32 s10, $0x1;
	s10 =	sld [smem:$0x3FBA];
	_ =	sdelay $0x3  }
0x34: {  	[smem:$0x3FBA] =	sst s10  }
0x35: {  	s10 =	sld [smem:$0x3FB9];
	_ =	sdelay $0x3  }
0x36: {  	p1 =	seq.s32 s10, $0x1;
	s10 =	sld [smem:$0x3FBA];
	_ =	sdelay $0x3  }
0x37: {  	[smem:$0x3FBA] =	sst s10  }
0x38: {  	s10 =	sld [smem:$0x3FBB]  }
0x39: {  	_ = 	snop;
	(pc) =	sbr.ind lr, $3  }
0x3a: {  	_ = 	snop  }
0x3b: {  	_ = 	snop  }
0x3c: {  	p2 =	seq.s32 s10, $0x1;
	s10 =	sld [smem:$0x3FBA]  }
0x3d: {  	_ =	shalt  }
0x3e: {  	_ =	shalt  }
0x3f: {  	_ =	shalt  }
0x40: {  	_ =	shalt  }
0x41: {  	_ =	shalt  }
0x42: {  	_ =	shalt  }
0x43: {  	_ =	shalt  }
0x44: {  	_ =	shalt  }
0x45: {  	_ =	shalt  }
0x46: {  	_ =	shalt  }
0x47: {  	_ =	shalt  }
0x48: {  	_ =	shalt  }
0x49: {  	_ =	shalt  }
0x4a: {  	_ =	shalt  }
0x4b: {  	_ =	shalt  }
0x4c: {  	_ =	shalt  }
0x4d: {  	_ =	shalt  }
0x4e: {  	_ =	shalt  }
0x4f: {  	_ =	shalt  }
0x50: {  	_ =	shalt  }
0x51: {  	_ =	shalt  }
0x52: {  	_ =	shalt  }
0x53: {  	_ =	shalt  }
0x54: {  	_ =	shalt  }
0x55: {  	_ =	shalt  }
0x56: {  	_ =	shalt  }
0x57: {  	_ =	shalt  }
0x58: {  	_ =	shalt  }
0x59: {  	_ =	shalt  }
0x5a: {  	_ =	shalt  }
0x5b: {  	_ =	shalt  }
0x5c: {  	_ =	shalt  }
0x5d: {  	_ =	shalt  }
0x5e: {  	_ =	shalt  }
0x5f: {  	_ =	shalt  }
0x60: {  	_ =	shalt  }
0x61: {  	_ =	shalt  }
0x62: {  	_ =	shalt  }
0x63: {  	_ =	shalt  }
0x64: {  	_ =	shalt  }
0x65: {  	_ =	shalt  }
0x66: {  	_ =	shalt  }
0x67: {  	_ =	shalt  }
0x68: {  	_ =	shalt  }
0x69: {  	_ =	shalt  }
0x6a: {  	_ =	shalt  }
0x6b: {  	_ =	shalt  }
0x6c: {  	_ =	shalt  }
0x6d: {  	_ =	shalt  }
0x6e: {  	_ =	shalt  }
0x6f: {  	_ =	shalt  }
0x70: {  	_ =	shalt  }
0x71: {  	_ =	shalt  }
0x72: {  	_ =	shalt  }
0x73: {  	_ =	shalt  }
0x74: {  	_ =	shalt  }
0x75: {  	_ =	shalt  }
0x76: {  	_ =	shalt  }
0x77: {  	_ =	shalt  }
0x78: {  	_ =	shalt  }
0x79: {  	_ =	shalt  }
0x7a: {  	_ =	shalt  }
0x7b: {  	_ =	shalt  }
0x7c: {  	_ =	shalt  }
0x7d: {  	_ =	shalt  }
0x7e: {  	_ =	shalt  }
0x7f: {  	_ =	shalt  }
0x80: {  	_ =	shalt  }
0x81: {  	_ =	shalt  }
0x82: {  	_ =	shalt  }
0x83: {  	_ =	shalt  }
0x84: {  	_ =	shalt  }
0x85: {  	_ =	shalt  }
0x86: {  	_ =	shalt  }
0x87: {  	_ =	shalt  }
.Lfunc_end0:
.L_simem_size_0:
called_computation_lowered:
.L_overlay_start_0:
0x88: {  	s2 =	sld [smem:$0x3FD9]  }
0x89: {  	s3 =	sld [smem:$0x3FFE];
	_ =	sdelay $0x1  }
0x8a: {  	s1 =	srdreg.scid  }
0x8b: {  	s0 =	sand.u32 $0x1, s1  }
0x8c: {  	s17 =	sshll.u32 s0, $0xA;
	s2 =	sadd.s32 s3, s2  }
0x8d: {  	s2 =	sadd.s32 s2, s17  }
0x8e: {  	[smem:$0x3FC6] =	sst s2  }
0x8f: {  	_ = 	snop  }
0x90: {  	s2 =	sld [smem:$0x3FC9]  }
0x91: {  	s18 =	sld [smem:$0x3FC8];
	(tm) =	ssettm $0x1  }
0x92: {  	s4 =	sld [smem:$0x3FFB];
	_ =	sdelay $0x3  }
0x93: {  	_ =	strace s4  }
0x94: {  	s4 =	sld [smem:$0x3FFC];
	_ =	sdelay $0x3  }
0x95: {  	_ =	strace s4  }
0x96: {  	s4 =	sld [smem:$0x3FFD];
	_ =	sdelay $0x3  }
0x97: {  	_ =	strace s4  }
0x98: {  	_ =	strace $0x8FFFFFFF  }
0x99: {  	s19 =	sld [smem:$0x3FDB];
	_ =	sdelay $0x1  }
0x9a: {  	s5 =	simm.s32 $_scs_section_size  }
0x9b: {  	s6 =	simm.s32 $_size__tile_overlayer_lowered;
	s7 =	simm.s32 $_tile_overlayer_lowered  }
0x9c: {  	s22 =	simm.s32 $0x1BFF;
	s21 =	sshll.u32 s7, $0x1;
	s4 =	sadd.s32 s5, s19  }
0x9d: {  	s8 =	simm.s32 $0x0;
	s20 =	sshll.u32 s6, $0x1;
	s6 =	sadd.s32 s21, s4  }
0x9e: {  	[timem:s8], [sflag:s22] =	dma.local [hbm:s6], s20  }
0x9f: {  	_ =	swait.ge [sflag:s22], s20  }
0xa0: {  	s5 =	ssub.s32 $0x0, s20;
	[sflag:s22] =	ssyncset.done $0x0  }
0xa1: {  	[sflag:s22] =	ssyncadd.s32 s5;
	_ =	sdelay $0x1  }
0xa2: {  	s23 =	simm.s32 $0x1B8B  }
0xa3: {  	_ =	swait.ge [sflag:s23], $0x1  }
0xa4: {  	[sflag:s23] =	ssyncset.done $0x0  }
0xa5: {  	s25 =	simm.s32 $0x1B8E;
	s24 =	sld [smem:$0x3FFE];
	[sflag:s23] =	ssyncadd.s32 $0xFFFFFFFF  }
0xa6: {  	s26 =	simm.s32 $execute0_lowered;
	[smem:$0x3FD2] =	sst s25  }
0xa7: {  	s6 =	sshll.u32 s26, $0x1;
	_ =	strace $0x80000046;
	[dreg:$0x1] =	wrdreg $0xFFFFFFFF  }
0xa8: {  	s28 =	simm.s32 $_size_execute0_lowered;
	s4 =	sadd.s32 s4, s6;
	[dreg:$0x0] =	wrdreg $0x0  }
0xa9: {  	s6 =	sshll.u32 s28, $0x1;
	[dreg:$0x2] =	wrdreg s4  }
0xaa: {  	[dreg:$0x3] =	wrdreg s6  }
0xab: {  	[dreg:$0x4] =	wrdreg $0xC0  }
0xac: {  	_ =	task [dreg:s8], $0x5FFFF  }
0xad: {  	[dreg:$0x1] =	wrdreg $0xFFFFFFFF  }
0xae: {  	[dreg:$0x0] =	wrdreg $0x60  }
0xaf: {  	[dreg:$0x2] =	wrdreg s2  }
0xb0: {  	[dreg:$0x3] =	wrdreg s18  }
0xb1: {  	[dreg:$0x4] =	wrdreg s24  }
0xb2: {  	[dreg:$0x5] =	wrdreg $0x42000  }
0xb3: {  	[dreg:$0x6] =	wrdreg $0x9  }
0xb4: {  	_ =	task.clear_ibuf [dreg:s8], $0x7FFFF;
	_ =	strace $0x90000046  }
0xb5: {  	s29 =	simm.s32 $0x9;
	_ =	strace $0x80000048  }
0xb6: {  	_ =	swait.ge [sflag:s29], $0x1  }
0xb7: {  	[sflag:s29] =	ssyncadd.s32 $0xFFFFFFFF  }
0xb8: {  	_ =	strace $0x90000048  }
0xb9: {  	_ =	sfence  }
0xba: {  	s30 =	sld [smem:$0x0];
	_ =	sdelay $0x2  }
0xbb: {  	s31 =	sshll.u32 s1, $0xD;
	s1 =	sshrl.u32 s1, $0x2  }
0xbc: {  	s3 =	sand.u32 $0x4000, s31;
	s1 =	sadd.s32 s1, s30  }
0xbd: {  	s0 =	sor.u32 s3, s0;
	s1 =	sshll.u32 s1, $0x11  }
0xbe: {  	s0 =	sor.u32 s1, s0  }
0xbf: {  	s0 =	sadd.s32 $0x8F2B, s0  }
0xc0: {  	[sflag:s0] =	ssyncadd.remote.s32 $0x1  }
0xc1: {  	_ =	sfence.sel $0xFFFF  }
0xc2: {  	[dreg:$0x0] =	wrdreg $0xFFFFFFFF;
	(pc) =	sbr.abs _section_cstart, $3  }
0xc3: {  	[dreg:$0x1] =	wrdreg $0xFFFFFFFF  }
0xc4: {  	_ =	task.clear_ibuf [dreg:s8], $0x2FFFF;
	_ =	strace $0x9FFFFFFF  }
0xc5: {  	(tm) =	ssettm $0x7FFFFFFF  }
tec
execute0_lowered:
.L_overlay_start_1:
0x0: {  	(tag) =	ssettag $0x1  }
0x1: {  	s3 =	rddreg [dreg:$0x0]  }
0x2: {  	s4 =	rddreg [dreg:$0x1]  }
0x3: {  	s5 =	rddreg [dreg:$0x2]  }
0x4: {  	s1 =	rddreg [dreg:$0x3]  }
0x5: {  	s6 =	srdreg.scid;
	s0 =	rddreg [dreg:$0x4]  }
0x6: {  	s2 =	simm.s32 $0x0;
	s28 =	stileid.u32;
	s16 =	simm.s32 $0x4000  }
0x7: {  	s14 =	simm.s32 $0x4080;
	p1 =	por $0x0, $0x0;
	s6 =	sand.u32 $0x1, s6  }
0x8: {  	[smem:$0x7FF] =	sst s2;
	s10 =	sadd.s32 $0x600, s5;
	s8 =	ssub.s32 $0x2, s6  }
0x9: {  	s9 =	sshll.u32 s28, $0x2;
	s29 =	sshll.u32 s28, $0x6;
	s11 =	sshrl.u32 s8, $0x1  }
0xa: {  	p0 =	sne.s32 s28, $0x0;
	s7 =	smul.u32 $0x680, s6;
	s30 =	ssub.s32 s8, s11  }
0xb: {  	_ =	strace $0x80000047;
	s6 =	sshll.u32 s6, $0x6;
	s31 =	smax.u32 s30, $0x1  }
0xc: {  	s6 =	sor.u32 s9, s6;
	s9 =	sand.u32 $0x40, s29;
	s19 =	sadd.s32 $0xFFFFFFFF, s31  }
0xd: {  	s5 =	sadd.s32 s7, s5;
	s12 =	sshll.u32 s6, $0x4;
	p2 =	sne.s32 s19, $0x0  }
.Ltmp0:
0xe: {  	s6 =	sshll.u32 s6, $0xB;
	s4 =	sadd.s32 s4, s9;
	(pc) =	sbr.rel @!p2 .LBB2_3-.Ltmp0, $4  }
0xf: {  	s7 =	simm.s32 $0x80;
	s9 =	simm.s32 $0x4180;
	s12 =	sand.u32 $0x780, s12  }
0x10: {  	s13 =	sadd.s32 s3, s6;
	s3 =	sadd.s32 $0xE00, s5;
	s5 =	simm.s32 $0x1  }
0x11: {  	s15 =	sadd.s32 s12, s4;
	s11 =	sadd.s32 $0x800, s13;
	s8 =	sadd.s32 $0x1000, s13  }
0x12: {  	s6 =	sadd.s32 $0x1800, s13;
	s4 =	sshrl.u32 @!p0 s1, $0x3;
	s12 =	simm.s32 $0x4100  }
0x13: {  	s18 =	simm.s32 @!p0 $0x1C01;
	s17 =	simm.s32 @!p0 $0x1  }
0x14: {  	[spmem:s4], [sflag:s18] =	dma.local @!p0 [hbm:s10], $0x680  }
0x15: {  	_ =	swait.ge @!p0 [sflag:s17], $0x680  }
0x16: {  	[sflag:s17] =	ssyncset.done @!p0 $0x0  }
0x17: {  	[sflag:s17] =	ssyncadd.s32 @!p0 $0xFFFFF980  }
0x18: {  	[bflag:$0x0] =	sbarrier.arrive $0xFFFF  }
0x19: {  	[tilespmem:s16], [sflag:$0x1] =	stream.linear.gather [hbm4b:s15+s2], $0x200, $0x38;
	[tilespmem:$0x4540] =	vst v63  }
0x1a: {  	_ =	swait.ge [sflag:s5], $0x200  }
0x1b: {  	[sflag:s5] =	ssyncset.done $0x0  }
0x1c: {  	[sflag:s5] =	ssyncadd.s32 $0xFFFFFE00  }
0x1d: {  	[tilespmem:s2], [sflag:$0x1] =	stream.linear.gather [hbm4b:s13+s2], $0x4000, $0x38;
	[tilespmem:$0x4540] =	vst v63  }
0x1e: {  	_ =	swait.ge [sflag:s5], $0x4000  }
0x1f: {  	[sflag:s5] =	ssyncset.done $0x0  }
0x20: {  	[sflag:s5] =	ssyncadd.s32 $0xFFFFC000  }
0x21: {  	[spmem:s1] =	stream.indirect.scatter.add.f32 [tilespmem:s2], [sflag:$0x1], $0x80, s16, s7, $0xb8;
	[tilespmem:$0x4540] =	vst v63  }
0x22: {  	_ =	swait.ge [sflag:s5], $0x4000  }
0x23: {  	[sflag:s5] =	ssyncset.done $0x0  }
0x24: {  	[sflag:s5] =	ssyncadd.s32 $0xFFFFC000  }
0x25: {  	[tilespmem:s2], [sflag:$0x1] =	stream.linear.gather [hbm4b:s11+s2], $0x4000, $0x38;
	[tilespmem:$0x4540] =	vst v63  }
0x26: {  	_ =	swait.ge [sflag:s5], $0x4000  }
0x27: {  	[sflag:s5] =	ssyncset.done $0x0  }
0x28: {  	[sflag:s5] =	ssyncadd.s32 $0xFFFFC000  }
0x29: {  	[spmem:s1] =	stream.indirect.scatter.add.f32 [tilespmem:s2], [sflag:$0x1], $0x80, s14, s7, $0xb8;
	[tilespmem:$0x4540] =	vst v63  }
0x2a: {  	_ =	swait.ge [sflag:s5], $0x4000  }
0x2b: {  	[sflag:s5] =	ssyncset.done $0x0  }
0x2c: {  	[sflag:s5] =	ssyncadd.s32 $0xFFFFC000  }
0x2d: {  	[tilespmem:s2], [sflag:$0x1] =	stream.linear.gather [hbm4b:s8+s2], $0x4000, $0x38;
	[tilespmem:$0x4540] =	vst v63  }
0x2e: {  	_ =	swait.ge [sflag:s5], $0x4000  }
0x2f: {  	[sflag:s5] =	ssyncset.done $0x0  }
0x30: {  	[sflag:s5] =	ssyncadd.s32 $0xFFFFC000  }
0x31: {  	[spmem:s1] =	stream.indirect.scatter.add.f32 [tilespmem:s2], [sflag:$0x1], $0x80, s12, s7, $0xb8;
	[tilespmem:$0x4540] =	vst v63  }
0x32: {  	_ =	swait.ge [sflag:s5], $0x4000  }
0x33: {  	[sflag:s5] =	ssyncset.done $0x0  }
0x34: {  	[sflag:s5] =	ssyncadd.s32 $0xFFFFC000  }
0x35: {  	[tilespmem:s2], [sflag:$0x1] =	stream.linear.gather [hbm4b:s6+s2], $0x4000, $0x38;
	[tilespmem:$0x4540] =	vst v63  }
0x36: {  	_ =	swait.ge [sflag:s5], $0x4000  }
0x37: {  	[sflag:s5] =	ssyncset.done $0x0  }
0x38: {  	[sflag:s5] =	ssyncadd.s32 $0xFFFFC000  }
0x39: {  	[spmem:s1] =	stream.indirect.scatter.add.f32 [tilespmem:s2], [sflag:$0x1], $0x80, s9, s7, $0xb8;
	[tilespmem:$0x4540] =	vst v63  }
0x3a: {  	s19 =	sadd.s32 $0xFFFFFFFF, s19;
	_ =	swait.ge [sflag:s5], $0x4000  }
0x3b: {  	p2 =	sne.s32 s19, $0x0;
	[sflag:s5] =	ssyncset.done $0x0  }
.Ltmp1:
0x3c: {  	[sflag:s5] =	ssyncadd.s32 $0xFFFFC000;
	(pc) =	sbr.rel @!p2 .LBB2_3-.Ltmp1, $4  }
0x3d: {  	[bflag:$0x0] =	sbarrier.arrive $0xFFFF  }
0x3e: {  	[hbm:s3], [sflag:s18] =	dma.local @!p0 [spmem:s4], $0x680  }
0x3f: {  	_ =	swait.ge @!p0 [sflag:s17], $0x680  }
0x40: {  	p1 =	por $0x1, $0x1;
	[sflag:s17] =	ssyncset.done @!p0 $0x0  }
.LBB2_2:
0x41: {  	[sflag:s17] =	ssyncadd.s32 @!p0 $0xFFFFF980  }
0x42: {  	[spmem:s4], [sflag:s18] =	dma.local @!p0 [hbm:s10], $0x680  }
0x43: {  	s19 =	sadd.s32 $0xFFFFFFFF, s19;
	_ =	swait.ge @!p0 [sflag:s17], $0x680  }
0x44: {  	p2 =	sne.s32 s19, $0x0;
	[sflag:s17] =	ssyncset.done @!p0 $0x0  }
0x45: {  	[sflag:s17] =	ssyncadd.s32 @!p0 $0xFFFFF980  }
0x46: {  	[bflag:$0x0] =	sbarrier.arrive $0xFFFF  }
0x47: {  	[tilespmem:s16], [sflag:$0x1] =	stream.linear.gather [hbm4b:s15+s2], $0x200, $0x38;
	[tilespmem:$0x4540] =	vst v63  }
0x48: {  	_ =	swait.ge [sflag:s5], $0x200  }
0x49: {  	[sflag:s5] =	ssyncset.done $0x0  }
0x4a: {  	[sflag:s5] =	ssyncadd.s32 $0xFFFFFE00  }
0x4b: {  	[tilespmem:s2], [sflag:$0x1] =	stream.linear.gather [hbm4b:s13+s2], $0x4000, $0x38;
	[tilespmem:$0x4540] =	vst v63  }
0x4c: {  	_ =	swait.ge [sflag:s5], $0x4000  }
0x4d: {  	[sflag:s5] =	ssyncset.done $0x0  }
0x4e: {  	[sflag:s5] =	ssyncadd.s32 $0xFFFFC000  }
0x4f: {  	[spmem:s1] =	stream.indirect.scatter.add.f32 [tilespmem:s2], [sflag:$0x1], $0x80, s16, s7, $0xb8;
	[tilespmem:$0x4540] =	vst v63  }
0x50: {  	_ =	swait.ge [sflag:s5], $0x4000  }
0x51: {  	[sflag:s5] =	ssyncset.done $0x0  }
0x52: {  	[sflag:s5] =	ssyncadd.s32 $0xFFFFC000  }
0x53: {  	[tilespmem:s2], [sflag:$0x1] =	stream.linear.gather [hbm4b:s11+s2], $0x4000, $0x38;
	[tilespmem:$0x4540] =	vst v63  }
0x54: {  	_ =	swait.ge [sflag:s5], $0x4000  }
0x55: {  	[sflag:s5] =	ssyncset.done $0x0  }
0x56: {  	[sflag:s5] =	ssyncadd.s32 $0xFFFFC000  }
0x57: {  	[spmem:s1] =	stream.indirect.scatter.add.f32 [tilespmem:s2], [sflag:$0x1], $0x80, s14, s7, $0xb8;
	[tilespmem:$0x4540] =	vst v63  }
0x58: {  	_ =	swait.ge [sflag:s5], $0x4000  }
0x59: {  	[sflag:s5] =	ssyncset.done $0x0  }
0x5a: {  	[sflag:s5] =	ssyncadd.s32 $0xFFFFC000  }
0x5b: {  	[tilespmem:s2], [sflag:$0x1] =	stream.linear.gather [hbm4b:s8+s2], $0x4000, $0x38;
	[tilespmem:$0x4540] =	vst v63  }
0x5c: {  	_ =	swait.ge [sflag:s5], $0x4000  }
0x5d: {  	[sflag:s5] =	ssyncset.done $0x0  }
0x5e: {  	[sflag:s5] =	ssyncadd.s32 $0xFFFFC000  }
0x5f: {  	[spmem:s1] =	stream.indirect.scatter.add.f32 [tilespmem:s2], [sflag:$0x1], $0x80, s12, s7, $0xb8;
	[tilespmem:$0x4540] =	vst v63  }
0x60: {  	_ =	swait.ge [sflag:s5], $0x4000  }
0x61: {  	[sflag:s5] =	ssyncset.done $0x0  }
0x62: {  	[sflag:s5] =	ssyncadd.s32 $0xFFFFC000  }
0x63: {  	[tilespmem:s2], [sflag:$0x1] =	stream.linear.gather [hbm4b:s6+s2], $0x4000, $0x38;
	[tilespmem:$0x4540] =	vst v63  }
0x64: {  	_ =	swait.ge [sflag:s5], $0x4000  }
0x65: {  	[sflag:s5] =	ssyncset.done $0x0  }
0x66: {  	[sflag:s5] =	ssyncadd.s32 $0xFFFFC000  }
0x67: {  	[spmem:s1] =	stream.indirect.scatter.add.f32 [tilespmem:s2], [sflag:$0x1], $0x80, s9, s7, $0xb8;
	[tilespmem:$0x4540] =	vst v63  }
0x68: {  	_ =	swait.ge [sflag:s5], $0x4000  }
0x69: {  	[sflag:s5] =	ssyncset.done $0x0  }
.Ltmp2:
0x6a: {  	[sflag:s5] =	ssyncadd.s32 $0xFFFFC000;
	(pc) =	sbr.rel @p2 .LBB2_2-.Ltmp2, $4  }
0x6b: {  	[bflag:$0x0] =	sbarrier.arrive $0xFFFF  }
0x6c: {  	[hbm:s3], [sflag:s18] =	dma.local @!p0 [spmem:s4], $0x680  }
0x6d: {  	_ =	swait.ge @!p0 [sflag:s17], $0x680  }
0x6e: {  	[sflag:s17] =	ssyncset.done @!p0 $0x0  }
.LBB2_3:
0x6f: {  	p1 =	por p0, !p1  }
0x70: {  	s18 =	simm.s32 @!p0 $0x1C01;
	s19 =	simm.s32 @!p0 $0x1;
	[sflag:s17] =	ssyncadd.s32 @!p1 $0xFFFFF980  }
0x71: {  	[spmem:s4], [sflag:s18] =	dma.local @!p0 [hbm:s10], $0x680  }
0x72: {  	_ =	swait.ge @!p0 [sflag:s19], $0x680  }
0x73: {  	[sflag:s19] =	ssyncset.done @!p0 $0x0  }
0x74: {  	[sflag:s19] =	ssyncadd.s32 @!p0 $0xFFFFF980  }
0x75: {  	[bflag:$0x0] =	sbarrier.arrive $0xFFFF  }
0x76: {  	[tilespmem:s16], [sflag:$0x1] =	stream.linear.gather [hbm4b:s15+s2], $0x200, $0x38;
	[tilespmem:$0x4540] =	vst v63  }
0x77: {  	_ =	swait.ge [sflag:s5], $0x200  }
0x78: {  	[sflag:s5] =	ssyncset.done $0x0  }
0x79: {  	[sflag:s5] =	ssyncadd.s32 $0xFFFFFE00  }
0x7a: {  	[tilespmem:s2], [sflag:$0x1] =	stream.linear.gather [hbm4b:s13+s2], $0x4000, $0x38;
	[tilespmem:$0x4540] =	vst v63  }
0x7b: {  	_ =	swait.ge [sflag:s5], $0x4000  }
0x7c: {  	[sflag:s5] =	ssyncset.done $0x0  }
0x7d: {  	[sflag:s5] =	ssyncadd.s32 $0xFFFFC000  }
0x7e: {  	[spmem:s1] =	stream.indirect.scatter.add.f32 [tilespmem:s2], [sflag:$0x1], $0x80, s16, s7, $0xb8;
	[tilespmem:$0x4540] =	vst v63  }
0x7f: {  	_ =	swait.ge [sflag:s5], $0x4000  }
0x80: {  	[sflag:s5] =	ssyncset.done $0x0  }
0x81: {  	[sflag:s5] =	ssyncadd.s32 $0xFFFFC000  }
0x82: {  	[tilespmem:s2], [sflag:$0x1] =	stream.linear.gather [hbm4b:s11+s2], $0x4000, $0x38;
	[tilespmem:$0x4540] =	vst v63  }
0x83: {  	_ =	swait.ge [sflag:s5], $0x4000  }
0x84: {  	[sflag:s5] =	ssyncset.done $0x0  }
0x85: {  	[sflag:s5] =	ssyncadd.s32 $0xFFFFC000  }
0x86: {  	[spmem:s1] =	stream.indirect.scatter.add.f32 [tilespmem:s2], [sflag:$0x1], $0x80, s14, s7, $0xb8;
	[tilespmem:$0x4540] =	vst v63  }
0x87: {  	_ =	swait.ge [sflag:s5], $0x4000  }
0x88: {  	[sflag:s5] =	ssyncset.done $0x0  }
0x89: {  	[sflag:s5] =	ssyncadd.s32 $0xFFFFC000  }
0x8a: {  	[tilespmem:s2], [sflag:$0x1] =	stream.linear.gather [hbm4b:s8+s2], $0x4000, $0x38;
	[tilespmem:$0x4540] =	vst v63  }
0x8b: {  	_ =	swait.ge [sflag:s5], $0x4000  }
0x8c: {  	[sflag:s5] =	ssyncset.done $0x0  }
0x8d: {  	[sflag:s5] =	ssyncadd.s32 $0xFFFFC000  }
0x8e: {  	[spmem:s1] =	stream.indirect.scatter.add.f32 [tilespmem:s2], [sflag:$0x1], $0x80, s12, s7, $0xb8;
	[tilespmem:$0x4540] =	vst v63  }
0x8f: {  	_ =	swait.ge [sflag:s5], $0x4000  }
0x90: {  	[sflag:s5] =	ssyncset.done $0x0  }
0x91: {  	[sflag:s5] =	ssyncadd.s32 $0xFFFFC000  }
0x92: {  	[tilespmem:s2], [sflag:$0x1] =	stream.linear.gather [hbm4b:s6+s2], $0x4000, $0x38;
	[tilespmem:$0x4540] =	vst v63  }
0x93: {  	_ =	swait.ge [sflag:s5], $0x4000  }
0x94: {  	[sflag:s5] =	ssyncset.done $0x0  }
0x95: {  	[sflag:s5] =	ssyncadd.s32 $0xFFFFC000  }
0x96: {  	[spmem:s1] =	stream.indirect.scatter.add.f32 [tilespmem:s2], [sflag:$0x1], $0x80, s9, s7, $0xb8;
	[tilespmem:$0x4540] =	vst v63  }
0x97: {  	_ =	swait.ge [sflag:s5], $0x4000  }
0x98: {  	[sflag:s5] =	ssyncset.done $0x0  }
0x99: {  	[sflag:s5] =	ssyncadd.s32 $0xFFFFC000  }
0x9a: {  	[bflag:$0x0] =	sbarrier.arrive $0xFFFF  }
0x9b: {  	[hbm:s3], [sflag:s18] =	dma.local @!p0 [spmem:s4], $0x680  }
0x9c: {  	_ =	swait.ge @!p0 [sflag:s19], $0x680  }
0x9d: {  	[sflag:s19] =	ssyncset.done @!p0 $0x0  }
0x9e: {  	[sflag:s19] =	ssyncadd.s32 @!p0 $0xFFFFF980  }
0x9f: {  	_ =	sfence.sel $0x180000  }
0xa0: {  	[bflag:$0x0] =	sbarrier.arrive $0xFFFF  }
0xa1: {  	_ =	strace $0x90000047  }
0xa2: {  	s0 =	sadd.s32 @!p0 $0x100000, s0;
	[bflag:$0x2] =	sbarrier.arrive $0xFFFF  }
0xa3: {  	[sflag:s0] =	ssyncadd.tile.s32 @!p0 $0x1;
	_ =	shalt  }
.Lfunc_end2:
_tile_overlayer_lowered:
.L_overlay_start_2:
0xa4: {  	(tag) =	ssettag $0x2  }
0xa5: {  	s0 =	rddreg [dreg:$0x0];
	s2 =	stileid.u32  }
0xa6: {  	s1 =	rddreg [dreg:$0x1];
	p0 =	sne.s32 s2, $0x0  }
0xa7: {  	s3 =	rddreg [dreg:$0x2];
	[bflag:$0x3] =	sbarrier.arrive $0xFFFF;
	s2 =	simm.s32 @!p0 $0x1C01  }
0xa8: {  	[timem:s3], [sflag:s2] =	dma.local @!p0 [hbm:s0], s1  }
0xa9: {  	s0 =	simm.s32 @!p0 $0x1  }
0xaa: {  	_ =	swait.ge @!p0 [sflag:s0], s1  }
0xab: {  	s1 =	ssub.s32 @!p0 $0x0, s1;
	[sflag:s0] =	ssyncset.done @!p0 $0x0  }
0xac: {  	[sflag:s0] =	ssyncadd.s32 @!p0 s1  }
0xad: {  	[bflag:$0x3] =	sbarrier.arrive $0xFFFF  }
0xae: {  	_ =	shalt  }

</sc_bundles>
